<compile_context>
chip_gen: v7x
topology: tpu7x:2x2x1
jax: 0.10.2.dev20260603
libtpu: 0.0.44.dev20260713+nightly
codegen_flags: <defaults>
</compile_context>

<pallas_src>
import jax
import jax.numpy as jnp
from jax import lax
from jax.experimental import pallas as pl
from jax.experimental.pallas import tpu as pltpu
from jax.experimental.pallas import tpu_sc as plsc

EMBED = 64
NC = 2
NS = 16
NW = NC * NS
L = 16


def _body(sg_idx_hbm, wy_idx_hbm, mu_idx_hbm, sg_hbm, wy_hbm, mu_hbm,
          out_hbm, sgi_v, wyi_v, mui_v, sg_v, wy_v, mu_v, out_v, sem):
    bpw = sgi_v.shape[0]
    wid = lax.axis_index("s") * NC + lax.axis_index("c")
    base = wid * bpw
    cps = [
        pltpu.async_copy(sg_idx_hbm.at[pl.ds(base, bpw)], sgi_v, sem),
        pltpu.async_copy(wy_idx_hbm.at[pl.ds(base, bpw)], wyi_v, sem),
        pltpu.async_copy(mu_idx_hbm.at[pl.ds(base, bpw)], mui_v, sem),
        pltpu.async_copy(sg_hbm, sg_v, sem),
        pltpu.async_copy(wy_hbm, wy_v, sem),
        pltpu.async_copy(mu_hbm, mu_v, sem),
    ]
    for cp in cps:
        cp.wait()

    lanes = lax.iota(jnp.int32, L)

    def group(g, carry):
        off = g * L
        sgi = sgi_v[pl.ds(off, L)] * EMBED
        wyi = wyi_v[pl.ds(off, L)] * EMBED
        mui = mui_v[pl.ds(off, L)] * EMBED
        row = (lanes + off) * EMBED
        for d in range(EMBED):
            dvec = (lanes + d) & (EMBED - 1)
            r = (plsc.load_gather(sg_v, [sgi + dvec])
                 + plsc.load_gather(wy_v, [wyi + dvec])
                 + plsc.load_gather(mu_v, [mui + dvec]))
            plsc.store_scatter(out_v, [row + dvec], r)
        return carry

    lax.fori_loop(0, bpw // L, group, 0)
    pltpu.sync_copy(out_v, out_hbm.at[pl.ds(base * EMBED, bpw * EMBED)])


def kernel(space_group, wyckoff_letter, multiplicity, sg_table,
           wyckoff_table, mult_table):
    B = space_group.shape[0]
    bpw = B // NW
    sg = space_group.astype(jnp.int32)
    wy = wyckoff_letter.astype(jnp.int32)
    mu = multiplicity.astype(jnp.int32)
    mesh = plsc.VectorSubcoreMesh(core_axis_name="c", subcore_axis_name="s")
    run = pl.kernel(
        _body,
        mesh=mesh,
        compiler_params=pltpu.CompilerParams(needs_layout_passes=False),
        out_type=jax.ShapeDtypeStruct((B * EMBED,), jnp.float32),
        scratch_types=[
            pltpu.VMEM((bpw,), jnp.int32),
            pltpu.VMEM((bpw,), jnp.int32),
            pltpu.VMEM((bpw,), jnp.int32),
            pltpu.VMEM((sg_table.size,), jnp.float32),
            pltpu.VMEM((wyckoff_table.size,), jnp.float32),
            pltpu.VMEM((mult_table.size,), jnp.float32),
            pltpu.VMEM((bpw * EMBED,), jnp.float32),
            pltpu.SemaphoreType.DMA,
        ],
    )
    out = run(sg, wy, mu, sg_table.reshape(-1), wyckoff_table.reshape(-1),
              mult_table.reshape(-1))
    return out.reshape(B, EMBED)

# --- scband reference (transcript-rebuilt; emitter-appended) ---
"""Pipeline reference for scband-wyckoff-position-encoder-7275674599891 (READ-ONLY COPY).

The authoritative reference and input builder live on the scoring server;
editing this copy changes nothing except your own understanding.
"""

import jax, jax.numpy as jnp
import numpy as np

EMBED_DIM = 64
B = 16384

def setup_inputs(seed: int = 0) -> dict:
    key = jax.random.key(seed)
    k1, k2, k3, k4, k5, k6 = jax.random.split(key, 6)
    space_group = jax.random.randint(k1, (B,), 0, 231, dtype=jnp.int64 if jax.config.jax_enable_x64 else jnp.int32)
    wyckoff_letter = jax.random.randint(k2, (B,), 0, 27, dtype=space_group.dtype)
    multiplicity = jax.random.randint(k3, (B,), 0, 101, dtype=space_group.dtype)
    sg_table = jax.random.normal(k4, (231, EMBED_DIM), dtype=jnp.float32)
    wyckoff_table = jax.random.normal(k5, (27, EMBED_DIM), dtype=jnp.float32)
    mult_table = jax.random.normal(k6, (101, EMBED_DIM), dtype=jnp.float32)
    return {
        "space_group": space_group,
        "wyckoff_letter": wyckoff_letter,
        "multiplicity": multiplicity,
        "sg_table": sg_table,
        "wyckoff_table": wyckoff_table,
        "mult_table": mult_table,
    }

def reference(space_group, wyckoff_letter, multiplicity, sg_table, wyckoff_table, mult_table):
    sg_emb = jnp.take(sg_table, space_group, axis=0)
    wyckoff_emb = jnp.take(wyckoff_table, wyckoff_letter, axis=0)
    mult_emb = jnp.take(mult_table, multiplicity, axis=0)
    return sg_emb + wyckoff_emb + mult_emb

if __name__ == "__main__":
    import jax
    _d = setup_inputs()
    print(jax.jit(kernel)(*tuple(_d.values())))

</pallas_src>

<mosaic_0001>
#map = affine_map<(d0, d1) -> (0)>
module attributes {stable_mosaic.version = 14 : i64} {
  func.func @_body(%arg0: i32, %arg1: i32, %arg2: memref<16384xi32, #tpu.memory_space<hbm>>, %arg3: memref<16384xi32, #tpu.memory_space<hbm>>, %arg4: memref<16384xi32, #tpu.memory_space<hbm>>, %arg5: memref<14784xf32, #tpu.memory_space<hbm>>, %arg6: memref<1728xf32, #tpu.memory_space<hbm>>, %arg7: memref<6464xf32, #tpu.memory_space<hbm>>, %arg8: memref<1048576xf32, #tpu.memory_space<hbm>>, %arg9: memref<512xi32, #tpu.memory_space<vmem>>, %arg10: memref<512xi32, #tpu.memory_space<vmem>>, %arg11: memref<512xi32, #tpu.memory_space<vmem>>, %arg12: memref<14784xf32, #tpu.memory_space<vmem>>, %arg13: memref<1728xf32, #tpu.memory_space<vmem>>, %arg14: memref<6464xf32, #tpu.memory_space<vmem>>, %arg15: memref<32768xf32, #tpu.memory_space<vmem>>, %arg16: memref<!tpu.dma_semaphore, #tpu.memory_space<semaphore_mem>>) attributes {dimension_semantics = [#tpu.dimension_semantics<core_parallel>, #tpu.dimension_semantics<subcore_parallel>], iteration_bounds = array<i64: 2, 16>, scalar_prefetch = 0 : i64, scratch_operands = 8 : i64, tpu.core_type = #tpu.core_type<sc_vector_subcore>, window_params = [{transform_indices = #map}, {transform_indices = #map}, {transform_indices = #map}, {transform_indices = #map}, {transform_indices = #map}, {transform_indices = #map}, {transform_indices = #map}]} {
    %mul3A = arith.constant 2 : i32
    %mul3A_0 = arith.muli %arg1, %mul3A : i32
    %add3A = arith.addi %mul3A_0, %arg0 : i32
    %mul3A_1 = arith.constant 512 : i32
    %mul3A_2 = arith.muli %add3A, %mul3A_1 : i32
    %dma_start3A = tpu.memref_slice %arg2[%mul3A_2] : memref<16384xi32, #tpu.memory_space<hbm>> -> memref<512xi32, #tpu.memory_space<hbm>>
    %dma_start3A_3 = tpu.memref_slice %arg2[%mul3A_2] : memref<16384xi32, #tpu.memory_space<hbm>> -> memref<512xi32, #tpu.memory_space<hbm>>
    tpu.enqueue_dma source(%dma_start3A_3 : memref<512xi32, #tpu.memory_space<hbm>>) target(%arg9 : memref<512xi32, #tpu.memory_space<vmem>>) target_semaphore(%arg16 : memref<!tpu.dma_semaphore, #tpu.memory_space<semaphore_mem>>)
    %dma_start3A_4 = tpu.memref_slice %arg3[%mul3A_2] : memref<16384xi32, #tpu.memory_space<hbm>> -> memref<512xi32, #tpu.memory_space<hbm>>
    %dma_start3A_5 = tpu.memref_slice %arg3[%mul3A_2] : memref<16384xi32, #tpu.memory_space<hbm>> -> memref<512xi32, #tpu.memory_space<hbm>>
    tpu.enqueue_dma source(%dma_start3A_5 : memref<512xi32, #tpu.memory_space<hbm>>) target(%arg10 : memref<512xi32, #tpu.memory_space<vmem>>) target_semaphore(%arg16 : memref<!tpu.dma_semaphore, #tpu.memory_space<semaphore_mem>>)
    %dma_start3A_6 = tpu.memref_slice %arg4[%mul3A_2] : memref<16384xi32, #tpu.memory_space<hbm>> -> memref<512xi32, #tpu.memory_space<hbm>>
    %dma_start3A_7 = tpu.memref_slice %arg4[%mul3A_2] : memref<16384xi32, #tpu.memory_space<hbm>> -> memref<512xi32, #tpu.memory_space<hbm>>
    tpu.enqueue_dma source(%dma_start3A_7 : memref<512xi32, #tpu.memory_space<hbm>>) target(%arg11 : memref<512xi32, #tpu.memory_space<vmem>>) target_semaphore(%arg16 : memref<!tpu.dma_semaphore, #tpu.memory_space<semaphore_mem>>)
    tpu.enqueue_dma source(%arg5 : memref<14784xf32, #tpu.memory_space<hbm>>) target(%arg12 : memref<14784xf32, #tpu.memory_space<vmem>>) target_semaphore(%arg16 : memref<!tpu.dma_semaphore, #tpu.memory_space<semaphore_mem>>)
    tpu.enqueue_dma source(%arg6 : memref<1728xf32, #tpu.memory_space<hbm>>) target(%arg13 : memref<1728xf32, #tpu.memory_space<vmem>>) target_semaphore(%arg16 : memref<!tpu.dma_semaphore, #tpu.memory_space<semaphore_mem>>)
    tpu.enqueue_dma source(%arg7 : memref<6464xf32, #tpu.memory_space<hbm>>) target(%arg14 : memref<6464xf32, #tpu.memory_space<vmem>>) target_semaphore(%arg16 : memref<!tpu.dma_semaphore, #tpu.memory_space<semaphore_mem>>)
    %dma_wait3A = tpu.memref_slice %arg2[%mul3A_2] : memref<16384xi32, #tpu.memory_space<hbm>> -> memref<512xi32, #tpu.memory_space<hbm>>
    %dma_wait3A_8 = tpu.memref_slice %arg2[%mul3A_2] : memref<16384xi32, #tpu.memory_space<hbm>> -> memref<512xi32, #tpu.memory_space<hbm>>
    tpu.wait_dma2 semaphore(%arg16 : memref<!tpu.dma_semaphore, #tpu.memory_space<semaphore_mem>>) src(%dma_wait3A_8 : memref<512xi32, #tpu.memory_space<hbm>>) dst(%arg9 : memref<512xi32, #tpu.memory_space<vmem>>)
    %dma_wait3A_9 = tpu.memref_slice %arg3[%mul3A_2] : memref<16384xi32, #tpu.memory_space<hbm>> -> memref<512xi32, #tpu.memory_space<hbm>>
    %dma_wait3A_10 = tpu.memref_slice %arg3[%mul3A_2] : memref<16384xi32, #tpu.memory_space<hbm>> -> memref<512xi32, #tpu.memory_space<hbm>>
    tpu.wait_dma2 semaphore(%arg16 : memref<!tpu.dma_semaphore, #tpu.memory_space<semaphore_mem>>) src(%dma_wait3A_10 : memref<512xi32, #tpu.memory_space<hbm>>) dst(%arg10 : memref<512xi32, #tpu.memory_space<vmem>>)
    %dma_wait3A_11 = tpu.memref_slice %arg4[%mul3A_2] : memref<16384xi32, #tpu.memory_space<hbm>> -> memref<512xi32, #tpu.memory_space<hbm>>
    %dma_wait3A_12 = tpu.memref_slice %arg4[%mul3A_2] : memref<16384xi32, #tpu.memory_space<hbm>> -> memref<512xi32, #tpu.memory_space<hbm>>
    tpu.wait_dma2 semaphore(%arg16 : memref<!tpu.dma_semaphore, #tpu.memory_space<semaphore_mem>>) src(%dma_wait3A_12 : memref<512xi32, #tpu.memory_space<hbm>>) dst(%arg11 : memref<512xi32, #tpu.memory_space<vmem>>)
    tpu.wait_dma2 semaphore(%arg16 : memref<!tpu.dma_semaphore, #tpu.memory_space<semaphore_mem>>) src(%arg5 : memref<14784xf32, #tpu.memory_space<hbm>>) dst(%arg12 : memref<14784xf32, #tpu.memory_space<vmem>>)
    tpu.wait_dma2 semaphore(%arg16 : memref<!tpu.dma_semaphore, #tpu.memory_space<semaphore_mem>>) src(%arg6 : memref<1728xf32, #tpu.memory_space<hbm>>) dst(%arg13 : memref<1728xf32, #tpu.memory_space<vmem>>)
    tpu.wait_dma2 semaphore(%arg16 : memref<!tpu.dma_semaphore, #tpu.memory_space<semaphore_mem>>) src(%arg7 : memref<6464xf32, #tpu.memory_space<hbm>>) dst(%arg14 : memref<6464xf32, #tpu.memory_space<vmem>>)
    %iota3A = tpu.iota {dimensions = array<i32: 0>} : vector<16xi32>
    %scan3A = arith.constant 0 : i32
    %scan3A_13 = arith.constant 0 : i32
    %scan3A_14 = arith.constant 32 : i32
    %scan3A_15 = arith.addi %scan3A_13, %scan3A_14 : i32
    %scan3A_16 = arith.constant 1 : i32
    scf.for %scan3A_20 = %scan3A_13 to %scan3A_15 step %scan3A_16  : i32 {
      %mul3A_21 = arith.constant 16 : i32
      %mul3A_22 = arith.muli %scan3A_20, %mul3A_21 : i32
      %get3A = arith.index_cast %mul3A_22 : i32 to index
      %get3A_23 = tpu.vector_load %arg9[%get3A] {strides = array<i32>} : memref<512xi32, #tpu.memory_space<vmem>>, vector<16xi32>,
      %mul3A_24 = arith.constant 64 : i32
      %mul3A_25 = vector.broadcast %mul3A_24 : i32 to vector<16xi32>
      %mul3A_26 = arith.muli %get3A_23, %mul3A_25 : vector<16xi32>
      %get3A_27 = arith.index_cast %mul3A_22 : i32 to index
      %get3A_28 = tpu.vector_load %arg10[%get3A_27] {strides = array<i32>} : memref<512xi32, #tpu.memory_space<vmem>>, vector<16xi32>,
      %mul3A_29 = arith.constant 64 : i32
      %mul3A_30 = vector.broadcast %mul3A_29 : i32 to vector<16xi32>
      %mul3A_31 = arith.muli %get3A_28, %mul3A_30 : vector<16xi32>
      %get3A_32 = arith.index_cast %mul3A_22 : i32 to index
      %get3A_33 = tpu.vector_load %arg11[%get3A_32] {strides = array<i32>} : memref<512xi32, #tpu.memory_space<vmem>>, vector<16xi32>,
      %mul3A_34 = arith.constant 64 : i32
      %mul3A_35 = vector.broadcast %mul3A_34 : i32 to vector<16xi32>
      %mul3A_36 = arith.muli %get3A_33, %mul3A_35 : vector<16xi32>
      %add3A_37 = vector.broadcast %mul3A_22 : i32 to vector<16xi32>
      %add3A_38 = arith.addi %iota3A, %add3A_37 : vector<16xi32>
      %mul3A_39 = arith.constant 64 : i32
      %mul3A_40 = vector.broadcast %mul3A_39 : i32 to vector<16xi32>
      %mul3A_41 = arith.muli %add3A_38, %mul3A_40 : vector<16xi32>
      %add3A_42 = arith.constant 0 : i32
      %add3A_43 = vector.broadcast %add3A_42 : i32 to vector<16xi32>
      %add3A_44 = arith.addi %iota3A, %add3A_43 : vector<16xi32>
      %and3A = arith.constant 63 : i32
      %and3A_45 = vector.broadcast %and3A : i32 to vector<16xi32>
      %and3A_46 = arith.andi %add3A_44, %and3A_45 : vector<16xi32>
      %add3A_47 = arith.addi %mul3A_26, %and3A_46 : vector<16xi32>
      %gather3A = tpu.vector_load_idx %arg12[%add3A_47] : memref<14784xf32, #tpu.memory_space<vmem>>[vector<16xi32>], vector<16xf32>,
      %add3A_48 = arith.addi %mul3A_31, %and3A_46 : vector<16xi32>
      %gather3A_49 = tpu.vector_load_idx %arg13[%add3A_48] : memref<1728xf32, #tpu.memory_space<vmem>>[vector<16xi32>], vector<16xf32>,
      %add3A_50 = arith.addf %gather3A, %gather3A_49 : vector<16xf32>
      %add3A_51 = arith.addi %mul3A_36, %and3A_46 : vector<16xi32>
      %gather3A_52 = tpu.vector_load_idx %arg14[%add3A_51] : memref<6464xf32, #tpu.memory_space<vmem>>[vector<16xi32>], vector<16xf32>,
      %add3A_53 = arith.addf %add3A_50, %gather3A_52 : vector<16xf32>
      %add3A_54 = arith.addi %mul3A_41, %and3A_46 : vector<16xi32>
      tpu.vector_store_idx %arg15[%add3A_54], %add3A_53 : memref<32768xf32, #tpu.memory_space<vmem>>[vector<16xi32>], vector<16xf32>,
      %add3A_55 = arith.constant 1 : i32
      %add3A_56 = vector.broadcast %add3A_55 : i32 to vector<16xi32>
      %add3A_57 = arith.addi %iota3A, %add3A_56 : vector<16xi32>
      %and3A_58 = arith.constant 63 : i32
      %and3A_59 = vector.broadcast %and3A_58 : i32 to vector<16xi32>
      %and3A_60 = arith.andi %add3A_57, %and3A_59 : vector<16xi32>
      %add3A_61 = arith.addi %mul3A_26, %and3A_60 : vector<16xi32>
      %gather3A_62 = tpu.vector_load_idx %arg12[%add3A_61] : memref<14784xf32, #tpu.memory_space<vmem>>[vector<16xi32>], vector<16xf32>,
      %add3A_63 = arith.addi %mul3A_31, %and3A_60 : vector<16xi32>
      %gather3A_64 = tpu.vector_load_idx %arg13[%add3A_63] : memref<1728xf32, #tpu.memory_space<vmem>>[vector<16xi32>], vector<16xf32>,
      %add3A_65 = arith.addf %gather3A_62, %gather3A_64 : vector<16xf32>
      %add3A_66 = arith.addi %mul3A_36, %and3A_60 : vector<16xi32>
      %gather3A_67 = tpu.vector_load_idx %arg14[%add3A_66] : memref<6464xf32, #tpu.memory_space<vmem>>[vector<16xi32>], vector<16xf32>,
      %add3A_68 = arith.addf %add3A_65, %gather3A_67 : vector<16xf32>
      %add3A_69 = arith.addi %mul3A_41, %and3A_60 : vector<16xi32>
      tpu.vector_store_idx %arg15[%add3A_69], %add3A_68 : memref<32768xf32, #tpu.memory_space<vmem>>[vector<16xi32>], vector<16xf32>,
      %add3A_70 = arith.constant 2 : i32
      %add3A_71 = vector.broadcast %add3A_70 : i32 to vector<16xi32>
      %add3A_72 = arith.addi %iota3A, %add3A_71 : vector<16xi32>
      %and3A_73 = arith.constant 63 : i32
      %and3A_74 = vector.broadcast %and3A_73 : i32 to vector<16xi32>
      %and3A_75 = arith.andi %add3A_72, %and3A_74 : vector<16xi32>
      %add3A_76 = arith.addi %mul3A_26, %and3A_75 : vector<16xi32>
      %gather3A_77 = tpu.vector_load_idx %arg12[%add3A_76] : memref<14784xf32, #tpu.memory_space<vmem>>[vector<16xi32>], vector<16xf32>,
      %add3A_78 = arith.addi %mul3A_31, %and3A_75 : vector<16xi32>
      %gather3A_79 = tpu.vector_load_idx %arg13[%add3A_78] : memref<1728xf32, #tpu.memory_space<vmem>>[vector<16xi32>], vector<16xf32>,
      %add3A_80 = arith.addf %gather3A_77, %gather3A_79 : vector<16xf32>
      %add3A_81 = arith.addi %mul3A_36, %and3A_75 : vector<16xi32>
      %gather3A_82 = tpu.vector_load_idx %arg14[%add3A_81] : memref<6464xf32, #tpu.memory_space<vmem>>[vector<16xi32>], vector<16xf32>,
      %add3A_83 = arith.addf %add3A_80, %gather3A_82 : vector<16xf32>
      %add3A_84 = arith.addi %mul3A_41, %and3A_75 : vector<16xi32>
      tpu.vector_store_idx %arg15[%add3A_84], %add3A_83 : memref<32768xf32, #tpu.memory_space<vmem>>[vector<16xi32>], vector<16xf32>,
      %add3A_85 = arith.constant 3 : i32
      %add3A_86 = vector.broadcast %add3A_85 : i32 to vector<16xi32>
      %add3A_87 = arith.addi %iota3A, %add3A_86 : vector<16xi32>
      %and3A_88 = arith.constant 63 : i32
      %and3A_89 = vector.broadcast %and3A_88 : i32 to vector<16xi32>
      %and3A_90 = arith.andi %add3A_87, %and3A_89 : vector<16xi32>
      %add3A_91 = arith.addi %mul3A_26, %and3A_90 : vector<16xi32>
      %gather3A_92 = tpu.vector_load_idx %arg12[%add3A_91] : memref<14784xf32, #tpu.memory_space<vmem>>[vector<16xi32>], vector<16xf32>,
      %add3A_93 = arith.addi %mul3A_31, %and3A_90 : vector<16xi32>
      %gather3A_94 = tpu.vector_load_idx %arg13[%add3A_93] : memref<1728xf32, #tpu.memory_space<vmem>>[vector<16xi32>], vector<16xf32>,
      %add3A_95 = arith.addf %gather3A_92, %gather3A_94 : vector<16xf32>
      %add3A_96 = arith.addi %mul3A_36, %and3A_90 : vector<16xi32>
      %gather3A_97 = tpu.vector_load_idx %arg14[%add3A_96] : memref<6464xf32, #tpu.memory_space<vmem>>[vector<16xi32>], vector<16xf32>,
      %add3A_98 = arith.addf %add3A_95, %gather3A_97 : vector<16xf32>
      %add3A_99 = arith.addi %mul3A_41, %and3A_90 : vector<16xi32>
      tpu.vector_store_idx %arg15[%add3A_99], %add3A_98 : memref<32768xf32, #tpu.memory_space<vmem>>[vector<16xi32>], vector<16xf32>,
      %add3A_100 = arith.constant 4 : i32
      %add3A_101 = vector.broadcast %add3A_100 : i32 to vector<16xi32>
      %add3A_102 = arith.addi %iota3A, %add3A_101 : vector<16xi32>
      %and3A_103 = arith.constant 63 : i32
      %and3A_104 = vector.broadcast %and3A_103 : i32 to vector<16xi32>
      %and3A_105 = arith.andi %add3A_102, %and3A_104 : vector<16xi32>
      %add3A_106 = arith.addi %mul3A_26, %and3A_105 : vector<16xi32>
      %gather3A_107 = tpu.vector_load_idx %arg12[%add3A_106] : memref<14784xf32, #tpu.memory_space<vmem>>[vector<16xi32>], vector<16xf32>,
      %add3A_108 = arith.addi %mul3A_31, %and3A_105 : vector<16xi32>
      %gather3A_109 = tpu.vector_load_idx %arg13[%add3A_108] : memref<1728xf32, #tpu.memory_space<vmem>>[vector<16xi32>], vector<16xf32>,
      %add3A_110 = arith.addf %gather3A_107, %gather3A_109 : vector<16xf32>
      %add3A_111 = arith.addi %mul3A_36, %and3A_105 : vector<16xi32>
      %gather3A_112 = tpu.vector_load_idx %arg14[%add3A_111] : memref<6464xf32, #tpu.memory_space<vmem>>[vector<16xi32>], vector<16xf32>,
      %add3A_113 = arith.addf %add3A_110, %gather3A_112 : vector<16xf32>
      %add3A_114 = arith.addi %mul3A_41, %and3A_105 : vector<16xi32>
      tpu.vector_store_idx %arg15[%add3A_114], %add3A_113 : memref<32768xf32, #tpu.memory_space<vmem>>[vector<16xi32>], vector<16xf32>,
      %add3A_115 = arith.constant 5 : i32
      %add3A_116 = vector.broadcast %add3A_115 : i32 to vector<16xi32>
      %add3A_117 = arith.addi %iota3A, %add3A_116 : vector<16xi32>
      %and3A_118 = arith.constant 63 : i32
      %and3A_119 = vector.broadcast %and3A_118 : i32 to vector<16xi32>
      %and3A_120 = arith.andi %add3A_117, %and3A_119 : vector<16xi32>
      %add3A_121 = arith.addi %mul3A_26, %and3A_120 : vector<16xi32>
      %gather3A_122 = tpu.vector_load_idx %arg12[%add3A_121] : memref<14784xf32, #tpu.memory_space<vmem>>[vector<16xi32>], vector<16xf32>,
      %add3A_123 = arith.addi %mul3A_31, %and3A_120 : vector<16xi32>
      %gather3A_124 = tpu.vector_load_idx %arg13[%add3A_123] : memref<1728xf32, #tpu.memory_space<vmem>>[vector<16xi32>], vector<16xf32>,
      %add3A_125 = arith.addf %gather3A_122, %gather3A_124 : vector<16xf32>
      %add3A_126 = arith.addi %mul3A_36, %and3A_120 : vector<16xi32>
      %gather3A_127 = tpu.vector_load_idx %arg14[%add3A_126] : memref<6464xf32, #tpu.memory_space<vmem>>[vector<16xi32>], vector<16xf32>,
      %add3A_128 = arith.addf %add3A_125, %gather3A_127 : vector<16xf32>
      %add3A_129 = arith.addi %mul3A_41, %and3A_120 : vector<16xi32>
      tpu.vector_store_idx %arg15[%add3A_129], %add3A_128 : memref<32768xf32, #tpu.memory_space<vmem>>[vector<16xi32>], vector<16xf32>,
      %add3A_130 = arith.constant 6 : i32
      %add3A_131 = vector.broadcast %add3A_130 : i32 to vector<16xi32>
      %add3A_132 = arith.addi %iota3A, %add3A_131 : vector<16xi32>
      %and3A_133 = arith.constant 63 : i32
      %and3A_134 = vector.broadcast %and3A_133 : i32 to vector<16xi32>
      %and3A_135 = arith.andi %add3A_132, %and3A_134 : vector<16xi32>
      %add3A_136 = arith.addi %mul3A_26, %and3A_135 : vector<16xi32>
      %gather3A_137 = tpu.vector_load_idx %arg12[%add3A_136] : memref<14784xf32, #tpu.memory_space<vmem>>[vector<16xi32>], vector<16xf32>,
      %add3A_138 = arith.addi %mul3A_31, %and3A_135 : vector<16xi32>
      %gather3A_139 = tpu.vector_load_idx %arg13[%add3A_138] : memref<1728xf32, #tpu.memory_space<vmem>>[vector<16xi32>], vector<16xf32>,
      %add3A_140 = arith.addf %gather3A_137, %gather3A_139 : vector<16xf32>
      %add3A_141 = arith.addi %mul3A_36, %and3A_135 : vector<16xi32>
      %gather3A_142 = tpu.vector_load_idx %arg14[%add3A_141] : memref<6464xf32, #tpu.memory_space<vmem>>[vector<16xi32>], vector<16xf32>,
      %add3A_143 = arith.addf %add3A_140, %gather3A_142 : vector<16xf32>
      %add3A_144 = arith.addi %mul3A_41, %and3A_135 : vector<16xi32>
      tpu.vector_store_idx %arg15[%add3A_144], %add3A_143 : memref<32768xf32, #tpu.memory_space<vmem>>[vector<16xi32>], vector<16xf32>,
      %add3A_145 = arith.constant 7 : i32
      %add3A_146 = vector.broadcast %add3A_145 : i32 to vector<16xi32>
      %add3A_147 = arith.addi %iota3A, %add3A_146 : vector<16xi32>
      %and3A_148 = arith.constant 63 : i32
      %and3A_149 = vector.broadcast %and3A_148 : i32 to vector<16xi32>
      %and3A_150 = arith.andi %add3A_147, %and3A_149 : vector<16xi32>
      %add3A_151 = arith.addi %mul3A_26, %and3A_150 : vector<16xi32>
      %gather3A_152 = tpu.vector_load_idx %arg12[%add3A_151] : memref<14784xf32, #tpu.memory_space<vmem>>[vector<16xi32>], vector<16xf32>,
      %add3A_153 = arith.addi %mul3A_31, %and3A_150 : vector<16xi32>
      %gather3A_154 = tpu.vector_load_idx %arg13[%add3A_153] : memref<1728xf32, #tpu.memory_space<vmem>>[vector<16xi32>], vector<16xf32>,
      %add3A_155 = arith.addf %gather3A_152, %gather3A_154 : vector<16xf32>
      %add3A_156 = arith.addi %mul3A_36, %and3A_150 : vector<16xi32>
      %gather3A_157 = tpu.vector_load_idx %arg14[%add3A_156] : memref<6464xf32, #tpu.memory_space<vmem>>[vector<16xi32>], vector<16xf32>,
      %add3A_158 = arith.addf %add3A_155, %gather3A_157 : vector<16xf32>
      %add3A_159 = arith.addi %mul3A_41, %and3A_150 : vector<16xi32>
      tpu.vector_store_idx %arg15[%add3A_159], %add3A_158 : memref<32768xf32, #tpu.memory_space<vmem>>[vector<16xi32>], vector<16xf32>,
      %add3A_160 = arith.constant 8 : i32
      %add3A_161 = vector.broadcast %add3A_160 : i32 to vector<16xi32>
      %add3A_162 = arith.addi %iota3A, %add3A_161 : vector<16xi32>
      %and3A_163 = arith.constant 63 : i32
      %and3A_164 = vector.broadcast %and3A_163 : i32 to vector<16xi32>
      %and3A_165 = arith.andi %add3A_162, %and3A_164 : vector<16xi32>
      %add3A_166 = arith.addi %mul3A_26, %and3A_165 : vector<16xi32>
      %gather3A_167 = tpu.vector_load_idx %arg12[%add3A_166] : memref<14784xf32, #tpu.memory_space<vmem>>[vector<16xi32>], vector<16xf32>,
      %add3A_168 = arith.addi %mul3A_31, %and3A_165 : vector<16xi32>
      %gather3A_169 = tpu.vector_load_idx %arg13[%add3A_168] : memref<1728xf32, #tpu.memory_space<vmem>>[vector<16xi32>], vector<16xf32>,
      %add3A_170 = arith.addf %gather3A_167, %gather3A_169 : vector<16xf32>
      %add3A_171 = arith.addi %mul3A_36, %and3A_165 : vector<16xi32>
      %gather3A_172 = tpu.vector_load_idx %arg14[%add3A_171] : memref<6464xf32, #tpu.memory_space<vmem>>[vector<16xi32>], vector<16xf32>,
      %add3A_173 = arith.addf %add3A_170, %gather3A_172 : vector<16xf32>
      %add3A_174 = arith.addi %mul3A_41, %and3A_165 : vector<16xi32>
      tpu.vector_store_idx %arg15[%add3A_174], %add3A_173 : memref<32768xf32, #tpu.memory_space<vmem>>[vector<16xi32>], vector<16xf32>,
      %add3A_175 = arith.constant 9 : i32
      %add3A_176 = vector.broadcast %add3A_175 : i32 to vector<16xi32>
      %add3A_177 = arith.addi %iota3A, %add3A_176 : vector<16xi32>
      %and3A_178 = arith.constant 63 : i32
      %and3A_179 = vector.broadcast %and3A_178 : i32 to vector<16xi32>
      %and3A_180 = arith.andi %add3A_177, %and3A_179 : vector<16xi32>
      %add3A_181 = arith.addi %mul3A_26, %and3A_180 : vector<16xi32>
      %gather3A_182 = tpu.vector_load_idx %arg12[%add3A_181] : memref<14784xf32, #tpu.memory_space<vmem>>[vector<16xi32>], vector<16xf32>,
      %add3A_183 = arith.addi %mul3A_31, %and3A_180 : vector<16xi32>
      %gather3A_184 = tpu.vector_load_idx %arg13[%add3A_183] : memref<1728xf32, #tpu.memory_space<vmem>>[vector<16xi32>], vector<16xf32>,
      %add3A_185 = arith.addf %gather3A_182, %gather3A_184 : vector<16xf32>
      %add3A_186 = arith.addi %mul3A_36, %and3A_180 : vector<16xi32>
      %gather3A_187 = tpu.vector_load_idx %arg14[%add3A_186] : memref<6464xf32, #tpu.memory_space<vmem>>[vector<16xi32>], vector<16xf32>,
      %add3A_188 = arith.addf %add3A_185, %gather3A_187 : vector<16xf32>
      %add3A_189 = arith.addi %mul3A_41, %and3A_180 : vector<16xi32>
      tpu.vector_store_idx %arg15[%add3A_189], %add3A_188 : memref<32768xf32, #tpu.memory_space<vmem>>[vector<16xi32>], vector<16xf32>,
      %add3A_190 = arith.constant 10 : i32
      %add3A_191 = vector.broadcast %add3A_190 : i32 to vector<16xi32>
      %add3A_192 = arith.addi %iota3A, %add3A_191 : vector<16xi32>
      %and3A_193 = arith.constant 63 : i32
      %and3A_194 = vector.broadcast %and3A_193 : i32 to vector<16xi32>
      %and3A_195 = arith.andi %add3A_192, %and3A_194 : vector<16xi32>
      %add3A_196 = arith.addi %mul3A_26, %and3A_195 : vector<16xi32>
      %gather3A_197 = tpu.vector_load_idx %arg12[%add3A_196] : memref<14784xf32, #tpu.memory_space<vmem>>[vector<16xi32>], vector<16xf32>,
      %add3A_198 = arith.addi %mul3A_31, %and3A_195 : vector<16xi32>
      %gather3A_199 = tpu.vector_load_idx %arg13[%add3A_198] : memref<1728xf32, #tpu.memory_space<vmem>>[vector<16xi32>], vector<16xf32>,
      %add3A_200 = arith.addf %gather3A_197, %gather3A_199 : vector<16xf32>
      %add3A_201 = arith.addi %mul3A_36, %and3A_195 : vector<16xi32>
      %gather3A_202 = tpu.vector_load_idx %arg14[%add3A_201] : memref<6464xf32, #tpu.memory_space<vmem>>[vector<16xi32>], vector<16xf32>,
      %add3A_203 = arith.addf %add3A_200, %gather3A_202 : vector<16xf32>
      %add3A_204 = arith.addi %mul3A_41, %and3A_195 : vector<16xi32>
      tpu.vector_store_idx %arg15[%add3A_204], %add3A_203 : memref<32768xf32, #tpu.memory_space<vmem>>[vector<16xi32>], vector<16xf32>,
      %add3A_205 = arith.constant 11 : i32
      %add3A_206 = vector.broadcast %add3A_205 : i32 to vector<16xi32>
      %add3A_207 = arith.addi %iota3A, %add3A_206 : vector<16xi32>
      %and3A_208 = arith.constant 63 : i32
      %and3A_209 = vector.broadcast %and3A_208 : i32 to vector<16xi32>
      %and3A_210 = arith.andi %add3A_207, %and3A_209 : vector<16xi32>
      %add3A_211 = arith.addi %mul3A_26, %and3A_210 : vector<16xi32>
      %gather3A_212 = tpu.vector_load_idx %arg12[%add3A_211] : memref<14784xf32, #tpu.memory_space<vmem>>[vector<16xi32>], vector<16xf32>,
      %add3A_213 = arith.addi %mul3A_31, %and3A_210 : vector<16xi32>
      %gather3A_214 = tpu.vector_load_idx %arg13[%add3A_213] : memref<1728xf32, #tpu.memory_space<vmem>>[vector<16xi32>], vector<16xf32>,
      %add3A_215 = arith.addf %gather3A_212, %gather3A_214 : vector<16xf32>
      %add3A_216 = arith.addi %mul3A_36, %and3A_210 : vector<16xi32>
      %gather3A_217 = tpu.vector_load_idx %arg14[%add3A_216] : memref<6464xf32, #tpu.memory_space<vmem>>[vector<16xi32>], vector<16xf32>,
      %add3A_218 = arith.addf %add3A_215, %gather3A_217 : vector<16xf32>
      %add3A_219 = arith.addi %mul3A_41, %and3A_210 : vector<16xi32>
      tpu.vector_store_idx %arg15[%add3A_219], %add3A_218 : memref<32768xf32, #tpu.memory_space<vmem>>[vector<16xi32>], vector<16xf32>,
      %add3A_220 = arith.constant 12 : i32
      %add3A_221 = vector.broadcast %add3A_220 : i32 to vector<16xi32>
      %add3A_222 = arith.addi %iota3A, %add3A_221 : vector<16xi32>
      %and3A_223 = arith.constant 63 : i32
      %and3A_224 = vector.broadcast %and3A_223 : i32 to vector<16xi32>
      %and3A_225 = arith.andi %add3A_222, %and3A_224 : vector<16xi32>
      %add3A_226 = arith.addi %mul3A_26, %and3A_225 : vector<16xi32>
      %gather3A_227 = tpu.vector_load_idx %arg12[%add3A_226] : memref<14784xf32, #tpu.memory_space<vmem>>[vector<16xi32>], vector<16xf32>,
      %add3A_228 = arith.addi %mul3A_31, %and3A_225 : vector<16xi32>
      %gather3A_229 = tpu.vector_load_idx %arg13[%add3A_228] : memref<1728xf32, #tpu.memory_space<vmem>>[vector<16xi32>], vector<16xf32>,
      %add3A_230 = arith.addf %gather3A_227, %gather3A_229 : vector<16xf32>
      %add3A_231 = arith.addi %mul3A_36, %and3A_225 : vector<16xi32>
      %gather3A_232 = tpu.vector_load_idx %arg14[%add3A_231] : memref<6464xf32, #tpu.memory_space<vmem>>[vector<16xi32>], vector<16xf32>,
      %add3A_233 = arith.addf %add3A_230, %gather3A_232 : vector<16xf32>
      %add3A_234 = arith.addi %mul3A_41, %and3A_225 : vector<16xi32>
      tpu.vector_store_idx %arg15[%add3A_234], %add3A_233 : memref<32768xf32, #tpu.memory_space<vmem>>[vector<16xi32>], vector<16xf32>,
      %add3A_235 = arith.constant 13 : i32
      %add3A_236 = vector.broadcast %add3A_235 : i32 to vector<16xi32>
      %add3A_237 = arith.addi %iota3A, %add3A_236 : vector<16xi32>
      %and3A_238 = arith.constant 63 : i32
      %and3A_239 = vector.broadcast %and3A_238 : i32 to vector<16xi32>
      %and3A_240 = arith.andi %add3A_237, %and3A_239 : vector<16xi32>
      %add3A_241 = arith.addi %mul3A_26, %and3A_240 : vector<16xi32>
      %gather3A_242 = tpu.vector_load_idx %arg12[%add3A_241] : memref<14784xf32, #tpu.memory_space<vmem>>[vector<16xi32>], vector<16xf32>,
      %add3A_243 = arith.addi %mul3A_31, %and3A_240 : vector<16xi32>
      %gather3A_244 = tpu.vector_load_idx %arg13[%add3A_243] : memref<1728xf32, #tpu.memory_space<vmem>>[vector<16xi32>], vector<16xf32>,
      %add3A_245 = arith.addf %gather3A_242, %gather3A_244 : vector<16xf32>
      %add3A_246 = arith.addi %mul3A_36, %and3A_240 : vector<16xi32>
      %gather3A_247 = tpu.vector_load_idx %arg14[%add3A_246] : memref<6464xf32, #tpu.memory_space<vmem>>[vector<16xi32>], vector<16xf32>,
      %add3A_248 = arith.addf %add3A_245, %gather3A_247 : vector<16xf32>
      %add3A_249 = arith.addi %mul3A_41, %and3A_240 : vector<16xi32>
      tpu.vector_store_idx %arg15[%add3A_249], %add3A_248 : memref<32768xf32, #tpu.memory_space<vmem>>[vector<16xi32>], vector<16xf32>,
      %add3A_250 = arith.constant 14 : i32
      %add3A_251 = vector.broadcast %add3A_250 : i32 to vector<16xi32>
      %add3A_252 = arith.addi %iota3A, %add3A_251 : vector<16xi32>
      %and3A_253 = arith.constant 63 : i32
      %and3A_254 = vector.broadcast %and3A_253 : i32 to vector<16xi32>
      %and3A_255 = arith.andi %add3A_252, %and3A_254 : vector<16xi32>
      %add3A_256 = arith.addi %mul3A_26, %and3A_255 : vector<16xi32>
      %gather3A_257 = tpu.vector_load_idx %arg12[%add3A_256] : memref<14784xf32, #tpu.memory_space<vmem>>[vector<16xi32>], vector<16xf32>,
      %add3A_258 = arith.addi %mul3A_31, %and3A_255 : vector<16xi32>
      %gather3A_259 = tpu.vector_load_idx %arg13[%add3A_258] : memref<1728xf32, #tpu.memory_space<vmem>>[vector<16xi32>], vector<16xf32>,
      %add3A_260 = arith.addf %gather3A_257, %gather3A_259 : vector<16xf32>
      %add3A_261 = arith.addi %mul3A_36, %and3A_255 : vector<16xi32>
      %gather3A_262 = tpu.vector_load_idx %arg14[%add3A_261] : memref<6464xf32, #tpu.memory_space<vmem>>[vector<16xi32>], vector<16xf32>,
      %add3A_263 = arith.addf %add3A_260, %gather3A_262 : vector<16xf32>
      %add3A_264 = arith.addi %mul3A_41, %and3A_255 : vector<16xi32>
      tpu.vector_store_idx %arg15[%add3A_264], %add3A_263 : memref<32768xf32, #tpu.memory_space<vmem>>[vector<16xi32>], vector<16xf32>,
      %add3A_265 = arith.constant 15 : i32
      %add3A_266 = vector.broadcast %add3A_265 : i32 to vector<16xi32>
      %add3A_267 = arith.addi %iota3A, %add3A_266 : vector<16xi32>
      %and3A_268 = arith.constant 63 : i32
      %and3A_269 = vector.broadcast %and3A_268 : i32 to vector<16xi32>
      %and3A_270 = arith.andi %add3A_267, %and3A_269 : vector<16xi32>
      %add3A_271 = arith.addi %mul3A_26, %and3A_270 : vector<16xi32>
      %gather3A_272 = tpu.vector_load_idx %arg12[%add3A_271] : memref<14784xf32, #tpu.memory_space<vmem>>[vector<16xi32>], vector<16xf32>,
      %add3A_273 = arith.addi %mul3A_31, %and3A_270 : vector<16xi32>
      %gather3A_274 = tpu.vector_load_idx %arg13[%add3A_273] : memref<1728xf32, #tpu.memory_space<vmem>>[vector<16xi32>], vector<16xf32>,
      %add3A_275 = arith.addf %gather3A_272, %gather3A_274 : vector<16xf32>
      %add3A_276 = arith.addi %mul3A_36, %and3A_270 : vector<16xi32>
      %gather3A_277 = tpu.vector_load_idx %arg14[%add3A_276] : memref<6464xf32, #tpu.memory_space<vmem>>[vector<16xi32>], vector<16xf32>,
      %add3A_278 = arith.addf %add3A_275, %gather3A_277 : vector<16xf32>
      %add3A_279 = arith.addi %mul3A_41, %and3A_270 : vector<16xi32>
      tpu.vector_store_idx %arg15[%add3A_279], %add3A_278 : memref<32768xf32, #tpu.memory_space<vmem>>[vector<16xi32>], vector<16xf32>,
      %add3A_280 = arith.constant 16 : i32
      %add3A_281 = vector.broadcast %add3A_280 : i32 to vector<16xi32>
      %add3A_282 = arith.addi %iota3A, %add3A_281 : vector<16xi32>
      %and3A_283 = arith.constant 63 : i32
      %and3A_284 = vector.broadcast %and3A_283 : i32 to vector<16xi32>
      %and3A_285 = arith.andi %add3A_282, %and3A_284 : vector<16xi32>
      %add3A_286 = arith.addi %mul3A_26, %and3A_285 : vector<16xi32>
      %gather3A_287 = tpu.vector_load_idx %arg12[%add3A_286] : memref<14784xf32, #tpu.memory_space<vmem>>[vector<16xi32>], vector<16xf32>,
      %add3A_288 = arith.addi %mul3A_31, %and3A_285 : vector<16xi32>
      %gather3A_289 = tpu.vector_load_idx %arg13[%add3A_288] : memref<1728xf32, #tpu.memory_space<vmem>>[vector<16xi32>], vector<16xf32>,
      %add3A_290 = arith.addf %gather3A_287, %gather3A_289 : vector<16xf32>
      %add3A_291 = arith.addi %mul3A_36, %and3A_285 : vector<16xi32>
      %gather3A_292 = tpu.vector_load_idx %arg14[%add3A_291] : memref<6464xf32, #tpu.memory_space<vmem>>[vector<16xi32>], vector<16xf32>,
      %add3A_293 = arith.addf %add3A_290, %gather3A_292 : vector<16xf32>
      %add3A_294 = arith.addi %mul3A_41, %and3A_285 : vector<16xi32>
      tpu.vector_store_idx %arg15[%add3A_294], %add3A_293 : memref<32768xf32, #tpu.memory_space<vmem>>[vector<16xi32>], vector<16xf32>,
      %add3A_295 = arith.constant 17 : i32
      %add3A_296 = vector.broadcast %add3A_295 : i32 to vector<16xi32>
      %add3A_297 = arith.addi %iota3A, %add3A_296 : vector<16xi32>
      %and3A_298 = arith.constant 63 : i32
      %and3A_299 = vector.broadcast %and3A_298 : i32 to vector<16xi32>
      %and3A_300 = arith.andi %add3A_297, %and3A_299 : vector<16xi32>
      %add3A_301 = arith.addi %mul3A_26, %and3A_300 : vector<16xi32>
      %gather3A_302 = tpu.vector_load_idx %arg12[%add3A_301] : memref<14784xf32, #tpu.memory_space<vmem>>[vector<16xi32>], vector<16xf32>,
      %add3A_303 = arith.addi %mul3A_31, %and3A_300 : vector<16xi32>
      %gather3A_304 = tpu.vector_load_idx %arg13[%add3A_303] : memref<1728xf32, #tpu.memory_space<vmem>>[vector<16xi32>], vector<16xf32>,
      %add3A_305 = arith.addf %gather3A_302, %gather3A_304 : vector<16xf32>
      %add3A_306 = arith.addi %mul3A_36, %and3A_300 : vector<16xi32>
      %gather3A_307 = tpu.vector_load_idx %arg14[%add3A_306] : memref<6464xf32, #tpu.memory_space<vmem>>[vector<16xi32>], vector<16xf32>,
      %add3A_308 = arith.addf %add3A_305, %gather3A_307 : vector<16xf32>
      %add3A_309 = arith.addi %mul3A_41, %and3A_300 : vector<16xi32>
      tpu.vector_store_idx %arg15[%add3A_309], %add3A_308 : memref<32768xf32, #tpu.memory_space<vmem>>[vector<16xi32>], vector<16xf32>,
      %add3A_310 = arith.constant 18 : i32
      %add3A_311 = vector.broadcast %add3A_310 : i32 to vector<16xi32>
      %add3A_312 = arith.addi %iota3A, %add3A_311 : vector<16xi32>
      %and3A_313 = arith.constant 63 : i32
      %and3A_314 = vector.broadcast %and3A_313 : i32 to vector<16xi32>
      %and3A_315 = arith.andi %add3A_312, %and3A_314 : vector<16xi32>
      %add3A_316 = arith.addi %mul3A_26, %and3A_315 : vector<16xi32>
      %gather3A_317 = tpu.vector_load_idx %arg12[%add3A_316] : memref<14784xf32, #tpu.memory_space<vmem>>[vector<16xi32>], vector<16xf32>,
      %add3A_318 = arith.addi %mul3A_31, %and3A_315 : vector<16xi32>
      %gather3A_319 = tpu.vector_load_idx %arg13[%add3A_318] : memref<1728xf32, #tpu.memory_space<vmem>>[vector<16xi32>], vector<16xf32>,
      %add3A_320 = arith.addf %gather3A_317, %gather3A_319 : vector<16xf32>
      %add3A_321 = arith.addi %mul3A_36, %and3A_315 : vector<16xi32>
      %gather3A_322 = tpu.vector_load_idx %arg14[%add3A_321] : memref<6464xf32, #tpu.memory_space<vmem>>[vector<16xi32>], vector<16xf32>,
      %add3A_323 = arith.addf %add3A_320, %gather3A_322 : vector<16xf32>
      %add3A_324 = arith.addi %mul3A_41, %and3A_315 : vector<16xi32>
      tpu.vector_store_idx %arg15[%add3A_324], %add3A_323 : memref<32768xf32, #tpu.memory_space<vmem>>[vector<16xi32>], vector<16xf32>,
      %add3A_325 = arith.constant 19 : i32
      %add3A_326 = vector.broadcast %add3A_325 : i32 to vector<16xi32>
      %add3A_327 = arith.addi %iota3A, %add3A_326 : vector<16xi32>
      %and3A_328 = arith.constant 63 : i32
      %and3A_329 = vector.broadcast %and3A_328 : i32 to vector<16xi32>
      %and3A_330 = arith.andi %add3A_327, %and3A_329 : vector<16xi32>
      %add3A_331 = arith.addi %mul3A_26, %and3A_330 : vector<16xi32>
      %gather3A_332 = tpu.vector_load_idx %arg12[%add3A_331] : memref<14784xf32, #tpu.memory_space<vmem>>[vector<16xi32>], vector<16xf32>,
      %add3A_333 = arith.addi %mul3A_31, %and3A_330 : vector<16xi32>
      %gather3A_334 = tpu.vector_load_idx %arg13[%add3A_333] : memref<1728xf32, #tpu.memory_space<vmem>>[vector<16xi32>], vector<16xf32>,
      %add3A_335 = arith.addf %gather3A_332, %gather3A_334 : vector<16xf32>
      %add3A_336 = arith.addi %mul3A_36, %and3A_330 : vector<16xi32>
      %gather3A_337 = tpu.vector_load_idx %arg14[%add3A_336] : memref<6464xf32, #tpu.memory_space<vmem>>[vector<16xi32>], vector<16xf32>,
      %add3A_338 = arith.addf %add3A_335, %gather3A_337 : vector<16xf32>
      %add3A_339 = arith.addi %mul3A_41, %and3A_330 : vector<16xi32>
      tpu.vector_store_idx %arg15[%add3A_339], %add3A_338 : memref<32768xf32, #tpu.memory_space<vmem>>[vector<16xi32>], vector<16xf32>,
      %add3A_340 = arith.constant 20 : i32
      %add3A_341 = vector.broadcast %add3A_340 : i32 to vector<16xi32>
      %add3A_342 = arith.addi %iota3A, %add3A_341 : vector<16xi32>
      %and3A_343 = arith.constant 63 : i32
      %and3A_344 = vector.broadcast %and3A_343 : i32 to vector<16xi32>
      %and3A_345 = arith.andi %add3A_342, %and3A_344 : vector<16xi32>
      %add3A_346 = arith.addi %mul3A_26, %and3A_345 : vector<16xi32>
      %gather3A_347 = tpu.vector_load_idx %arg12[%add3A_346] : memref<14784xf32, #tpu.memory_space<vmem>>[vector<16xi32>], vector<16xf32>,
      %add3A_348 = arith.addi %mul3A_31, %and3A_345 : vector<16xi32>
      %gather3A_349 = tpu.vector_load_idx %arg13[%add3A_348] : memref<1728xf32, #tpu.memory_space<vmem>>[vector<16xi32>], vector<16xf32>,
      %add3A_350 = arith.addf %gather3A_347, %gather3A_349 : vector<16xf32>
      %add3A_351 = arith.addi %mul3A_36, %and3A_345 : vector<16xi32>
      %gather3A_352 = tpu.vector_load_idx %arg14[%add3A_351] : memref<6464xf32, #tpu.memory_space<vmem>>[vector<16xi32>], vector<16xf32>,
      %add3A_353 = arith.addf %add3A_350, %gather3A_352 : vector<16xf32>
      %add3A_354 = arith.addi %mul3A_41, %and3A_345 : vector<16xi32>
      tpu.vector_store_idx %arg15[%add3A_354], %add3A_353 : memref<32768xf32, #tpu.memory_space<vmem>>[vector<16xi32>], vector<16xf32>,
      %add3A_355 = arith.constant 21 : i32
      %add3A_356 = vector.broadcast %add3A_355 : i32 to vector<16xi32>
      %add3A_357 = arith.addi %iota3A, %add3A_356 : vector<16xi32>
      %and3A_358 = arith.constant 63 : i32
      %and3A_359 = vector.broadcast %and3A_358 : i32 to vector<16xi32>
      %and3A_360 = arith.andi %add3A_357, %and3A_359 : vector<16xi32>
      %add3A_361 = arith.addi %mul3A_26, %and3A_360 : vector<16xi32>
      %gather3A_362 = tpu.vector_load_idx %arg12[%add3A_361] : memref<14784xf32, #tpu.memory_space<vmem>>[vector<16xi32>], vector<16xf32>,
      %add3A_363 = arith.addi %mul3A_31, %and3A_360 : vector<16xi32>
      %gather3A_364 = tpu.vector_load_idx %arg13[%add3A_363] : memref<1728xf32, #tpu.memory_space<vmem>>[vector<16xi32>], vector<16xf32>,
      %add3A_365 = arith.addf %gather3A_362, %gather3A_364 : vector<16xf32>
      %add3A_366 = arith.addi %mul3A_36, %and3A_360 : vector<16xi32>
      %gather3A_367 = tpu.vector_load_idx %arg14[%add3A_366] : memref<6464xf32, #tpu.memory_space<vmem>>[vector<16xi32>], vector<16xf32>,
      %add3A_368 = arith.addf %add3A_365, %gather3A_367 : vector<16xf32>
      %add3A_369 = arith.addi %mul3A_41, %and3A_360 : vector<16xi32>
      tpu.vector_store_idx %arg15[%add3A_369], %add3A_368 : memref<32768xf32, #tpu.memory_space<vmem>>[vector<16xi32>], vector<16xf32>,
      %add3A_370 = arith.constant 22 : i32
      %add3A_371 = vector.broadcast %add3A_370 : i32 to vector<16xi32>
      %add3A_372 = arith.addi %iota3A, %add3A_371 : vector<16xi32>
      %and3A_373 = arith.constant 63 : i32
      %and3A_374 = vector.broadcast %and3A_373 : i32 to vector<16xi32>
      %and3A_375 = arith.andi %add3A_372, %and3A_374 : vector<16xi32>
      %add3A_376 = arith.addi %mul3A_26, %and3A_375 : vector<16xi32>
      %gather3A_377 = tpu.vector_load_idx %arg12[%add3A_376] : memref<14784xf32, #tpu.memory_space<vmem>>[vector<16xi32>], vector<16xf32>,
      %add3A_378 = arith.addi %mul3A_31, %and3A_375 : vector<16xi32>
      %gather3A_379 = tpu.vector_load_idx %arg13[%add3A_378] : memref<1728xf32, #tpu.memory_space<vmem>>[vector<16xi32>], vector<16xf32>,
      %add3A_380 = arith.addf %gather3A_377, %gather3A_379 : vector<16xf32>
      %add3A_381 = arith.addi %mul3A_36, %and3A_375 : vector<16xi32>
      %gather3A_382 = tpu.vector_load_idx %arg14[%add3A_381] : memref<6464xf32, #tpu.memory_space<vmem>>[vector<16xi32>], vector<16xf32>,
      %add3A_383 = arith.addf %add3A_380, %gather3A_382 : vector<16xf32>
      %add3A_384 = arith.addi %mul3A_41, %and3A_375 : vector<16xi32>
      tpu.vector_store_idx %arg15[%add3A_384], %add3A_383 : memref<32768xf32, #tpu.memory_space<vmem>>[vector<16xi32>], vector<16xf32>,
      %add3A_385 = arith.constant 23 : i32
      %add3A_386 = vector.broadcast %add3A_385 : i32 to vector<16xi32>
      %add3A_387 = arith.addi %iota3A, %add3A_386 : vector<16xi32>
      %and3A_388 = arith.constant 63 : i32
      %and3A_389 = vector.broadcast %and3A_388 : i32 to vector<16xi32>
      %and3A_390 = arith.andi %add3A_387, %and3A_389 : vector<16xi32>
      %add3A_391 = arith.addi %mul3A_26, %and3A_390 : vector<16xi32>
      %gather3A_392 = tpu.vector_load_idx %arg12[%add3A_391] : memref<14784xf32, #tpu.memory_space<vmem>>[vector<16xi32>], vector<16xf32>,
      %add3A_393 = arith.addi %mul3A_31, %and3A_390 : vector<16xi32>
      %gather3A_394 = tpu.vector_load_idx %arg13[%add3A_393] : memref<1728xf32, #tpu.memory_space<vmem>>[vector<16xi32>], vector<16xf32>,
      %add3A_395 = arith.addf %gather3A_392, %gather3A_394 : vector<16xf32>
      %add3A_396 = arith.addi %mul3A_36, %and3A_390 : vector<16xi32>
      %gather3A_397 = tpu.vector_load_idx %arg14[%add3A_396] : memref<6464xf32, #tpu.memory_space<vmem>>[vector<16xi32>], vector<16xf32>,
      %add3A_398 = arith.addf %add3A_395, %gather3A_397 : vector<16xf32>
      %add3A_399 = arith.addi %mul3A_41, %and3A_390 : vector<16xi32>
      tpu.vector_store_idx %arg15[%add3A_399], %add3A_398 : memref<32768xf32, #tpu.memory_space<vmem>>[vector<16xi32>], vector<16xf32>,
      %add3A_400 = arith.constant 24 : i32
      %add3A_401 = vector.broadcast %add3A_400 : i32 to vector<16xi32>
      %add3A_402 = arith.addi %iota3A, %add3A_401 : vector<16xi32>
      %and3A_403 = arith.constant 63 : i32
      %and3A_404 = vector.broadcast %and3A_403 : i32 to vector<16xi32>
      %and3A_405 = arith.andi %add3A_402, %and3A_404 : vector<16xi32>
      %add3A_406 = arith.addi %mul3A_26, %and3A_405 : vector<16xi32>
      %gather3A_407 = tpu.vector_load_idx %arg12[%add3A_406] : memref<14784xf32, #tpu.memory_space<vmem>>[vector<16xi32>], vector<16xf32>,
      %add3A_408 = arith.addi %mul3A_31, %and3A_405 : vector<16xi32>
      %gather3A_409 = tpu.vector_load_idx %arg13[%add3A_408] : memref<1728xf32, #tpu.memory_space<vmem>>[vector<16xi32>], vector<16xf32>,
      %add3A_410 = arith.addf %gather3A_407, %gather3A_409 : vector<16xf32>
      %add3A_411 = arith.addi %mul3A_36, %and3A_405 : vector<16xi32>
      %gather3A_412 = tpu.vector_load_idx %arg14[%add3A_411] : memref<6464xf32, #tpu.memory_space<vmem>>[vector<16xi32>], vector<16xf32>,
      %add3A_413 = arith.addf %add3A_410, %gather3A_412 : vector<16xf32>
      %add3A_414 = arith.addi %mul3A_41, %and3A_405 : vector<16xi32>
      tpu.vector_store_idx %arg15[%add3A_414], %add3A_413 : memref<32768xf32, #tpu.memory_space<vmem>>[vector<16xi32>], vector<16xf32>,
      %add3A_415 = arith.constant 25 : i32
      %add3A_416 = vector.broadcast %add3A_415 : i32 to vector<16xi32>
      %add3A_417 = arith.addi %iota3A, %add3A_416 : vector<16xi32>
      %and3A_418 = arith.constant 63 : i32
      %and3A_419 = vector.broadcast %and3A_418 : i32 to vector<16xi32>
      %and3A_420 = arith.andi %add3A_417, %and3A_419 : vector<16xi32>
      %add3A_421 = arith.addi %mul3A_26, %and3A_420 : vector<16xi32>
      %gather3A_422 = tpu.vector_load_idx %arg12[%add3A_421] : memref<14784xf32, #tpu.memory_space<vmem>>[vector<16xi32>], vector<16xf32>,
      %add3A_423 = arith.addi %mul3A_31, %and3A_420 : vector<16xi32>
      %gather3A_424 = tpu.vector_load_idx %arg13[%add3A_423] : memref<1728xf32, #tpu.memory_space<vmem>>[vector<16xi32>], vector<16xf32>,
      %add3A_425 = arith.addf %gather3A_422, %gather3A_424 : vector<16xf32>
      %add3A_426 = arith.addi %mul3A_36, %and3A_420 : vector<16xi32>
      %gather3A_427 = tpu.vector_load_idx %arg14[%add3A_426] : memref<6464xf32, #tpu.memory_space<vmem>>[vector<16xi32>], vector<16xf32>,
      %add3A_428 = arith.addf %add3A_425, %gather3A_427 : vector<16xf32>
      %add3A_429 = arith.addi %mul3A_41, %and3A_420 : vector<16xi32>
      tpu.vector_store_idx %arg15[%add3A_429], %add3A_428 : memref<32768xf32, #tpu.memory_space<vmem>>[vector<16xi32>], vector<16xf32>,
      %add3A_430 = arith.constant 26 : i32
      %add3A_431 = vector.broadcast %add3A_430 : i32 to vector<16xi32>
      %add3A_432 = arith.addi %iota3A, %add3A_431 : vector<16xi32>
      %and3A_433 = arith.constant 63 : i32
      %and3A_434 = vector.broadcast %and3A_433 : i32 to vector<16xi32>
      %and3A_435 = arith.andi %add3A_432, %and3A_434 : vector<16xi32>
      %add3A_436 = arith.addi %mul3A_26, %and3A_435 : vector<16xi32>
      %gather3A_437 = tpu.vector_load_idx %arg12[%add3A_436] : memref<14784xf32, #tpu.memory_space<vmem>>[vector<16xi32>], vector<16xf32>,
      %add3A_438 = arith.addi %mul3A_31, %and3A_435 : vector<16xi32>
      %gather3A_439 = tpu.vector_load_idx %arg13[%add3A_438] : memref<1728xf32, #tpu.memory_space<vmem>>[vector<16xi32>], vector<16xf32>,
      %add3A_440 = arith.addf %gather3A_437, %gather3A_439 : vector<16xf32>
      %add3A_441 = arith.addi %mul3A_36, %and3A_435 : vector<16xi32>
      %gather3A_442 = tpu.vector_load_idx %arg14[%add3A_441] : memref<6464xf32, #tpu.memory_space<vmem>>[vector<16xi32>], vector<16xf32>,
      %add3A_443 = arith.addf %add3A_440, %gather3A_442 : vector<16xf32>
      %add3A_444 = arith.addi %mul3A_41, %and3A_435 : vector<16xi32>
      tpu.vector_store_idx %arg15[%add3A_444], %add3A_443 : memref<32768xf32, #tpu.memory_space<vmem>>[vector<16xi32>], vector<16xf32>,
      %add3A_445 = arith.constant 27 : i32
      %add3A_446 = vector.broadcast %add3A_445 : i32 to vector<16xi32>
      %add3A_447 = arith.addi %iota3A, %add3A_446 : vector<16xi32>
      %and3A_448 = arith.constant 63 : i32
      %and3A_449 = vector.broadcast %and3A_448 : i32 to vector<16xi32>
      %and3A_450 = arith.andi %add3A_447, %and3A_449 : vector<16xi32>
      %add3A_451 = arith.addi %mul3A_26, %and3A_450 : vector<16xi32>
      %gather3A_452 = tpu.vector_load_idx %arg12[%add3A_451] : memref<14784xf32, #tpu.memory_space<vmem>>[vector<16xi32>], vector<16xf32>,
      %add3A_453 = arith.addi %mul3A_31, %and3A_450 : vector<16xi32>
      %gather3A_454 = tpu.vector_load_idx %arg13[%add3A_453] : memref<1728xf32, #tpu.memory_space<vmem>>[vector<16xi32>], vector<16xf32>,
      %add3A_455 = arith.addf %gather3A_452, %gather3A_454 : vector<16xf32>
      %add3A_456 = arith.addi %mul3A_36, %and3A_450 : vector<16xi32>
      %gather3A_457 = tpu.vector_load_idx %arg14[%add3A_456] : memref<6464xf32, #tpu.memory_space<vmem>>[vector<16xi32>], vector<16xf32>,
      %add3A_458 = arith.addf %add3A_455, %gather3A_457 : vector<16xf32>
      %add3A_459 = arith.addi %mul3A_41, %and3A_450 : vector<16xi32>
      tpu.vector_store_idx %arg15[%add3A_459], %add3A_458 : memref<32768xf32, #tpu.memory_space<vmem>>[vector<16xi32>], vector<16xf32>,
      %add3A_460 = arith.constant 28 : i32
      %add3A_461 = vector.broadcast %add3A_460 : i32 to vector<16xi32>
      %add3A_462 = arith.addi %iota3A, %add3A_461 : vector<16xi32>
      %and3A_463 = arith.constant 63 : i32
      %and3A_464 = vector.broadcast %and3A_463 : i32 to vector<16xi32>
      %and3A_465 = arith.andi %add3A_462, %and3A_464 : vector<16xi32>
      %add3A_466 = arith.addi %mul3A_26, %and3A_465 : vector<16xi32>
      %gather3A_467 = tpu.vector_load_idx %arg12[%add3A_466] : memref<14784xf32, #tpu.memory_space<vmem>>[vector<16xi32>], vector<16xf32>,
      %add3A_468 = arith.addi %mul3A_31, %and3A_465 : vector<16xi32>
      %gather3A_469 = tpu.vector_load_idx %arg13[%add3A_468] : memref<1728xf32, #tpu.memory_space<vmem>>[vector<16xi32>], vector<16xf32>,
      %add3A_470 = arith.addf %gather3A_467, %gather3A_469 : vector<16xf32>
      %add3A_471 = arith.addi %mul3A_36, %and3A_465 : vector<16xi32>
      %gather3A_472 = tpu.vector_load_idx %arg14[%add3A_471] : memref<6464xf32, #tpu.memory_space<vmem>>[vector<16xi32>], vector<16xf32>,
      %add3A_473 = arith.addf %add3A_470, %gather3A_472 : vector<16xf32>
      %add3A_474 = arith.addi %mul3A_41, %and3A_465 : vector<16xi32>
      tpu.vector_store_idx %arg15[%add3A_474], %add3A_473 : memref<32768xf32, #tpu.memory_space<vmem>>[vector<16xi32>], vector<16xf32>,
      %add3A_475 = arith.constant 29 : i32
      %add3A_476 = vector.broadcast %add3A_475 : i32 to vector<16xi32>
      %add3A_477 = arith.addi %iota3A, %add3A_476 : vector<16xi32>
      %and3A_478 = arith.constant 63 : i32
      %and3A_479 = vector.broadcast %and3A_478 : i32 to vector<16xi32>
      %and3A_480 = arith.andi %add3A_477, %and3A_479 : vector<16xi32>
      %add3A_481 = arith.addi %mul3A_26, %and3A_480 : vector<16xi32>
      %gather3A_482 = tpu.vector_load_idx %arg12[%add3A_481] : memref<14784xf32, #tpu.memory_space<vmem>>[vector<16xi32>], vector<16xf32>,
      %add3A_483 = arith.addi %mul3A_31, %and3A_480 : vector<16xi32>
      %gather3A_484 = tpu.vector_load_idx %arg13[%add3A_483] : memref<1728xf32, #tpu.memory_space<vmem>>[vector<16xi32>], vector<16xf32>,
      %add3A_485 = arith.addf %gather3A_482, %gather3A_484 : vector<16xf32>
      %add3A_486 = arith.addi %mul3A_36, %and3A_480 : vector<16xi32>
      %gather3A_487 = tpu.vector_load_idx %arg14[%add3A_486] : memref<6464xf32, #tpu.memory_space<vmem>>[vector<16xi32>], vector<16xf32>,
      %add3A_488 = arith.addf %add3A_485, %gather3A_487 : vector<16xf32>
      %add3A_489 = arith.addi %mul3A_41, %and3A_480 : vector<16xi32>
      tpu.vector_store_idx %arg15[%add3A_489], %add3A_488 : memref<32768xf32, #tpu.memory_space<vmem>>[vector<16xi32>], vector<16xf32>,
      %add3A_490 = arith.constant 30 : i32
      %add3A_491 = vector.broadcast %add3A_490 : i32 to vector<16xi32>
      %add3A_492 = arith.addi %iota3A, %add3A_491 : vector<16xi32>
      %and3A_493 = arith.constant 63 : i32
      %and3A_494 = vector.broadcast %and3A_493 : i32 to vector<16xi32>
      %and3A_495 = arith.andi %add3A_492, %and3A_494 : vector<16xi32>
      %add3A_496 = arith.addi %mul3A_26, %and3A_495 : vector<16xi32>
      %gather3A_497 = tpu.vector_load_idx %arg12[%add3A_496] : memref<14784xf32, #tpu.memory_space<vmem>>[vector<16xi32>], vector<16xf32>,
      %add3A_498 = arith.addi %mul3A_31, %and3A_495 : vector<16xi32>
      %gather3A_499 = tpu.vector_load_idx %arg13[%add3A_498] : memref<1728xf32, #tpu.memory_space<vmem>>[vector<16xi32>], vector<16xf32>,
      %add3A_500 = arith.addf %gather3A_497, %gather3A_499 : vector<16xf32>
      %add3A_501 = arith.addi %mul3A_36, %and3A_495 : vector<16xi32>
      %gather3A_502 = tpu.vector_load_idx %arg14[%add3A_501] : memref<6464xf32, #tpu.memory_space<vmem>>[vector<16xi32>], vector<16xf32>,
      %add3A_503 = arith.addf %add3A_500, %gather3A_502 : vector<16xf32>
      %add3A_504 = arith.addi %mul3A_41, %and3A_495 : vector<16xi32>
      tpu.vector_store_idx %arg15[%add3A_504], %add3A_503 : memref<32768xf32, #tpu.memory_space<vmem>>[vector<16xi32>], vector<16xf32>,
      %add3A_505 = arith.constant 31 : i32
      %add3A_506 = vector.broadcast %add3A_505 : i32 to vector<16xi32>
      %add3A_507 = arith.addi %iota3A, %add3A_506 : vector<16xi32>
      %and3A_508 = arith.constant 63 : i32
      %and3A_509 = vector.broadcast %and3A_508 : i32 to vector<16xi32>
      %and3A_510 = arith.andi %add3A_507, %and3A_509 : vector<16xi32>
      %add3A_511 = arith.addi %mul3A_26, %and3A_510 : vector<16xi32>
      %gather3A_512 = tpu.vector_load_idx %arg12[%add3A_511] : memref<14784xf32, #tpu.memory_space<vmem>>[vector<16xi32>], vector<16xf32>,
      %add3A_513 = arith.addi %mul3A_31, %and3A_510 : vector<16xi32>
      %gather3A_514 = tpu.vector_load_idx %arg13[%add3A_513] : memref<1728xf32, #tpu.memory_space<vmem>>[vector<16xi32>], vector<16xf32>,
      %add3A_515 = arith.addf %gather3A_512, %gather3A_514 : vector<16xf32>
      %add3A_516 = arith.addi %mul3A_36, %and3A_510 : vector<16xi32>
      %gather3A_517 = tpu.vector_load_idx %arg14[%add3A_516] : memref<6464xf32, #tpu.memory_space<vmem>>[vector<16xi32>], vector<16xf32>,
      %add3A_518 = arith.addf %add3A_515, %gather3A_517 : vector<16xf32>
      %add3A_519 = arith.addi %mul3A_41, %and3A_510 : vector<16xi32>
      tpu.vector_store_idx %arg15[%add3A_519], %add3A_518 : memref<32768xf32, #tpu.memory_space<vmem>>[vector<16xi32>], vector<16xf32>,
      %add3A_520 = arith.constant 32 : i32
      %add3A_521 = vector.broadcast %add3A_520 : i32 to vector<16xi32>
      %add3A_522 = arith.addi %iota3A, %add3A_521 : vector<16xi32>
      %and3A_523 = arith.constant 63 : i32
      %and3A_524 = vector.broadcast %and3A_523 : i32 to vector<16xi32>
      %and3A_525 = arith.andi %add3A_522, %and3A_524 : vector<16xi32>
      %add3A_526 = arith.addi %mul3A_26, %and3A_525 : vector<16xi32>
      %gather3A_527 = tpu.vector_load_idx %arg12[%add3A_526] : memref<14784xf32, #tpu.memory_space<vmem>>[vector<16xi32>], vector<16xf32>,
      %add3A_528 = arith.addi %mul3A_31, %and3A_525 : vector<16xi32>
      %gather3A_529 = tpu.vector_load_idx %arg13[%add3A_528] : memref<1728xf32, #tpu.memory_space<vmem>>[vector<16xi32>], vector<16xf32>,
      %add3A_530 = arith.addf %gather3A_527, %gather3A_529 : vector<16xf32>
      %add3A_531 = arith.addi %mul3A_36, %and3A_525 : vector<16xi32>
      %gather3A_532 = tpu.vector_load_idx %arg14[%add3A_531] : memref<6464xf32, #tpu.memory_space<vmem>>[vector<16xi32>], vector<16xf32>,
      %add3A_533 = arith.addf %add3A_530, %gather3A_532 : vector<16xf32>
      %add3A_534 = arith.addi %mul3A_41, %and3A_525 : vector<16xi32>
      tpu.vector_store_idx %arg15[%add3A_534], %add3A_533 : memref<32768xf32, #tpu.memory_space<vmem>>[vector<16xi32>], vector<16xf32>,
      %add3A_535 = arith.constant 33 : i32
      %add3A_536 = vector.broadcast %add3A_535 : i32 to vector<16xi32>
      %add3A_537 = arith.addi %iota3A, %add3A_536 : vector<16xi32>
      %and3A_538 = arith.constant 63 : i32
      %and3A_539 = vector.broadcast %and3A_538 : i32 to vector<16xi32>
      %and3A_540 = arith.andi %add3A_537, %and3A_539 : vector<16xi32>
      %add3A_541 = arith.addi %mul3A_26, %and3A_540 : vector<16xi32>
      %gather3A_542 = tpu.vector_load_idx %arg12[%add3A_541] : memref<14784xf32, #tpu.memory_space<vmem>>[vector<16xi32>], vector<16xf32>,
      %add3A_543 = arith.addi %mul3A_31, %and3A_540 : vector<16xi32>
      %gather3A_544 = tpu.vector_load_idx %arg13[%add3A_543] : memref<1728xf32, #tpu.memory_space<vmem>>[vector<16xi32>], vector<16xf32>,
      %add3A_545 = arith.addf %gather3A_542, %gather3A_544 : vector<16xf32>
      %add3A_546 = arith.addi %mul3A_36, %and3A_540 : vector<16xi32>
      %gather3A_547 = tpu.vector_load_idx %arg14[%add3A_546] : memref<6464xf32, #tpu.memory_space<vmem>>[vector<16xi32>], vector<16xf32>,
      %add3A_548 = arith.addf %add3A_545, %gather3A_547 : vector<16xf32>
      %add3A_549 = arith.addi %mul3A_41, %and3A_540 : vector<16xi32>
      tpu.vector_store_idx %arg15[%add3A_549], %add3A_548 : memref<32768xf32, #tpu.memory_space<vmem>>[vector<16xi32>], vector<16xf32>,
      %add3A_550 = arith.constant 34 : i32
      %add3A_551 = vector.broadcast %add3A_550 : i32 to vector<16xi32>
      %add3A_552 = arith.addi %iota3A, %add3A_551 : vector<16xi32>
      %and3A_553 = arith.constant 63 : i32
      %and3A_554 = vector.broadcast %and3A_553 : i32 to vector<16xi32>
      %and3A_555 = arith.andi %add3A_552, %and3A_554 : vector<16xi32>
      %add3A_556 = arith.addi %mul3A_26, %and3A_555 : vector<16xi32>
      %gather3A_557 = tpu.vector_load_idx %arg12[%add3A_556] : memref<14784xf32, #tpu.memory_space<vmem>>[vector<16xi32>], vector<16xf32>,
      %add3A_558 = arith.addi %mul3A_31, %and3A_555 : vector<16xi32>
      %gather3A_559 = tpu.vector_load_idx %arg13[%add3A_558] : memref<1728xf32, #tpu.memory_space<vmem>>[vector<16xi32>], vector<16xf32>,
      %add3A_560 = arith.addf %gather3A_557, %gather3A_559 : vector<16xf32>
      %add3A_561 = arith.addi %mul3A_36, %and3A_555 : vector<16xi32>
      %gather3A_562 = tpu.vector_load_idx %arg14[%add3A_561] : memref<6464xf32, #tpu.memory_space<vmem>>[vector<16xi32>], vector<16xf32>,
      %add3A_563 = arith.addf %add3A_560, %gather3A_562 : vector<16xf32>
      %add3A_564 = arith.addi %mul3A_41, %and3A_555 : vector<16xi32>
      tpu.vector_store_idx %arg15[%add3A_564], %add3A_563 : memref<32768xf32, #tpu.memory_space<vmem>>[vector<16xi32>], vector<16xf32>,
      %add3A_565 = arith.constant 35 : i32
      %add3A_566 = vector.broadcast %add3A_565 : i32 to vector<16xi32>
      %add3A_567 = arith.addi %iota3A, %add3A_566 : vector<16xi32>
      %and3A_568 = arith.constant 63 : i32
      %and3A_569 = vector.broadcast %and3A_568 : i32 to vector<16xi32>
      %and3A_570 = arith.andi %add3A_567, %and3A_569 : vector<16xi32>
      %add3A_571 = arith.addi %mul3A_26, %and3A_570 : vector<16xi32>
      %gather3A_572 = tpu.vector_load_idx %arg12[%add3A_571] : memref<14784xf32, #tpu.memory_space<vmem>>[vector<16xi32>], vector<16xf32>,
      %add3A_573 = arith.addi %mul3A_31, %and3A_570 : vector<16xi32>
      %gather3A_574 = tpu.vector_load_idx %arg13[%add3A_573] : memref<1728xf32, #tpu.memory_space<vmem>>[vector<16xi32>], vector<16xf32>,
      %add3A_575 = arith.addf %gather3A_572, %gather3A_574 : vector<16xf32>
      %add3A_576 = arith.addi %mul3A_36, %and3A_570 : vector<16xi32>
      %gather3A_577 = tpu.vector_load_idx %arg14[%add3A_576] : memref<6464xf32, #tpu.memory_space<vmem>>[vector<16xi32>], vector<16xf32>,
      %add3A_578 = arith.addf %add3A_575, %gather3A_577 : vector<16xf32>
      %add3A_579 = arith.addi %mul3A_41, %and3A_570 : vector<16xi32>
      tpu.vector_store_idx %arg15[%add3A_579], %add3A_578 : memref<32768xf32, #tpu.memory_space<vmem>>[vector<16xi32>], vector<16xf32>,
      %add3A_580 = arith.constant 36 : i32
      %add3A_581 = vector.broadcast %add3A_580 : i32 to vector<16xi32>
      %add3A_582 = arith.addi %iota3A, %add3A_581 : vector<16xi32>
      %and3A_583 = arith.constant 63 : i32
      %and3A_584 = vector.broadcast %and3A_583 : i32 to vector<16xi32>
      %and3A_585 = arith.andi %add3A_582, %and3A_584 : vector<16xi32>
      %add3A_586 = arith.addi %mul3A_26, %and3A_585 : vector<16xi32>
      %gather3A_587 = tpu.vector_load_idx %arg12[%add3A_586] : memref<14784xf32, #tpu.memory_space<vmem>>[vector<16xi32>], vector<16xf32>,
      %add3A_588 = arith.addi %mul3A_31, %and3A_585 : vector<16xi32>
      %gather3A_589 = tpu.vector_load_idx %arg13[%add3A_588] : memref<1728xf32, #tpu.memory_space<vmem>>[vector<16xi32>], vector<16xf32>,
      %add3A_590 = arith.addf %gather3A_587, %gather3A_589 : vector<16xf32>
      %add3A_591 = arith.addi %mul3A_36, %and3A_585 : vector<16xi32>
      %gather3A_592 = tpu.vector_load_idx %arg14[%add3A_591] : memref<6464xf32, #tpu.memory_space<vmem>>[vector<16xi32>], vector<16xf32>,
      %add3A_593 = arith.addf %add3A_590, %gather3A_592 : vector<16xf32>
      %add3A_594 = arith.addi %mul3A_41, %and3A_585 : vector<16xi32>
      tpu.vector_store_idx %arg15[%add3A_594], %add3A_593 : memref<32768xf32, #tpu.memory_space<vmem>>[vector<16xi32>], vector<16xf32>,
      %add3A_595 = arith.constant 37 : i32
      %add3A_596 = vector.broadcast %add3A_595 : i32 to vector<16xi32>
      %add3A_597 = arith.addi %iota3A, %add3A_596 : vector<16xi32>
      %and3A_598 = arith.constant 63 : i32
      %and3A_599 = vector.broadcast %and3A_598 : i32 to vector<16xi32>
      %and3A_600 = arith.andi %add3A_597, %and3A_599 : vector<16xi32>
      %add3A_601 = arith.addi %mul3A_26, %and3A_600 : vector<16xi32>
      %gather3A_602 = tpu.vector_load_idx %arg12[%add3A_601] : memref<14784xf32, #tpu.memory_space<vmem>>[vector<16xi32>], vector<16xf32>,
      %add3A_603 = arith.addi %mul3A_31, %and3A_600 : vector<16xi32>
      %gather3A_604 = tpu.vector_load_idx %arg13[%add3A_603] : memref<1728xf32, #tpu.memory_space<vmem>>[vector<16xi32>], vector<16xf32>,
      %add3A_605 = arith.addf %gather3A_602, %gather3A_604 : vector<16xf32>
      %add3A_606 = arith.addi %mul3A_36, %and3A_600 : vector<16xi32>
      %gather3A_607 = tpu.vector_load_idx %arg14[%add3A_606] : memref<6464xf32, #tpu.memory_space<vmem>>[vector<16xi32>], vector<16xf32>,
      %add3A_608 = arith.addf %add3A_605, %gather3A_607 : vector<16xf32>
      %add3A_609 = arith.addi %mul3A_41, %and3A_600 : vector<16xi32>
      tpu.vector_store_idx %arg15[%add3A_609], %add3A_608 : memref<32768xf32, #tpu.memory_space<vmem>>[vector<16xi32>], vector<16xf32>,
      %add3A_610 = arith.constant 38 : i32
      %add3A_611 = vector.broadcast %add3A_610 : i32 to vector<16xi32>
      %add3A_612 = arith.addi %iota3A, %add3A_611 : vector<16xi32>
      %and3A_613 = arith.constant 63 : i32
      %and3A_614 = vector.broadcast %and3A_613 : i32 to vector<16xi32>
      %and3A_615 = arith.andi %add3A_612, %and3A_614 : vector<16xi32>
      %add3A_616 = arith.addi %mul3A_26, %and3A_615 : vector<16xi32>
      %gather3A_617 = tpu.vector_load_idx %arg12[%add3A_616] : memref<14784xf32, #tpu.memory_space<vmem>>[vector<16xi32>], vector<16xf32>,
      %add3A_618 = arith.addi %mul3A_31, %and3A_615 : vector<16xi32>
      %gather3A_619 = tpu.vector_load_idx %arg13[%add3A_618] : memref<1728xf32, #tpu.memory_space<vmem>>[vector<16xi32>], vector<16xf32>,
      %add3A_620 = arith.addf %gather3A_617, %gather3A_619 : vector<16xf32>
      %add3A_621 = arith.addi %mul3A_36, %and3A_615 : vector<16xi32>
      %gather3A_622 = tpu.vector_load_idx %arg14[%add3A_621] : memref<6464xf32, #tpu.memory_space<vmem>>[vector<16xi32>], vector<16xf32>,
      %add3A_623 = arith.addf %add3A_620, %gather3A_622 : vector<16xf32>
      %add3A_624 = arith.addi %mul3A_41, %and3A_615 : vector<16xi32>
      tpu.vector_store_idx %arg15[%add3A_624], %add3A_623 : memref<32768xf32, #tpu.memory_space<vmem>>[vector<16xi32>], vector<16xf32>,
      %add3A_625 = arith.constant 39 : i32
      %add3A_626 = vector.broadcast %add3A_625 : i32 to vector<16xi32>
      %add3A_627 = arith.addi %iota3A, %add3A_626 : vector<16xi32>
      %and3A_628 = arith.constant 63 : i32
      %and3A_629 = vector.broadcast %and3A_628 : i32 to vector<16xi32>
      %and3A_630 = arith.andi %add3A_627, %and3A_629 : vector<16xi32>
      %add3A_631 = arith.addi %mul3A_26, %and3A_630 : vector<16xi32>
      %gather3A_632 = tpu.vector_load_idx %arg12[%add3A_631] : memref<14784xf32, #tpu.memory_space<vmem>>[vector<16xi32>], vector<16xf32>,
      %add3A_633 = arith.addi %mul3A_31, %and3A_630 : vector<16xi32>
      %gather3A_634 = tpu.vector_load_idx %arg13[%add3A_633] : memref<1728xf32, #tpu.memory_space<vmem>>[vector<16xi32>], vector<16xf32>,
      %add3A_635 = arith.addf %gather3A_632, %gather3A_634 : vector<16xf32>
      %add3A_636 = arith.addi %mul3A_36, %and3A_630 : vector<16xi32>
      %gather3A_637 = tpu.vector_load_idx %arg14[%add3A_636] : memref<6464xf32, #tpu.memory_space<vmem>>[vector<16xi32>], vector<16xf32>,
      %add3A_638 = arith.addf %add3A_635, %gather3A_637 : vector<16xf32>
      %add3A_639 = arith.addi %mul3A_41, %and3A_630 : vector<16xi32>
      tpu.vector_store_idx %arg15[%add3A_639], %add3A_638 : memref<32768xf32, #tpu.memory_space<vmem>>[vector<16xi32>], vector<16xf32>,
      %add3A_640 = arith.constant 40 : i32
      %add3A_641 = vector.broadcast %add3A_640 : i32 to vector<16xi32>
      %add3A_642 = arith.addi %iota3A, %add3A_641 : vector<16xi32>
      %and3A_643 = arith.constant 63 : i32
      %and3A_644 = vector.broadcast %and3A_643 : i32 to vector<16xi32>
      %and3A_645 = arith.andi %add3A_642, %and3A_644 : vector<16xi32>
      %add3A_646 = arith.addi %mul3A_26, %and3A_645 : vector<16xi32>
      %gather3A_647 = tpu.vector_load_idx %arg12[%add3A_646] : memref<14784xf32, #tpu.memory_space<vmem>>[vector<16xi32>], vector<16xf32>,
      %add3A_648 = arith.addi %mul3A_31, %and3A_645 : vector<16xi32>
      %gather3A_649 = tpu.vector_load_idx %arg13[%add3A_648] : memref<1728xf32, #tpu.memory_space<vmem>>[vector<16xi32>], vector<16xf32>,
      %add3A_650 = arith.addf %gather3A_647, %gather3A_649 : vector<16xf32>
      %add3A_651 = arith.addi %mul3A_36, %and3A_645 : vector<16xi32>
      %gather3A_652 = tpu.vector_load_idx %arg14[%add3A_651] : memref<6464xf32, #tpu.memory_space<vmem>>[vector<16xi32>], vector<16xf32>,
      %add3A_653 = arith.addf %add3A_650, %gather3A_652 : vector<16xf32>
      %add3A_654 = arith.addi %mul3A_41, %and3A_645 : vector<16xi32>
      tpu.vector_store_idx %arg15[%add3A_654], %add3A_653 : memref<32768xf32, #tpu.memory_space<vmem>>[vector<16xi32>], vector<16xf32>,
      %add3A_655 = arith.constant 41 : i32
      %add3A_656 = vector.broadcast %add3A_655 : i32 to vector<16xi32>
      %add3A_657 = arith.addi %iota3A, %add3A_656 : vector<16xi32>
      %and3A_658 = arith.constant 63 : i32
      %and3A_659 = vector.broadcast %and3A_658 : i32 to vector<16xi32>
      %and3A_660 = arith.andi %add3A_657, %and3A_659 : vector<16xi32>
      %add3A_661 = arith.addi %mul3A_26, %and3A_660 : vector<16xi32>
      %gather3A_662 = tpu.vector_load_idx %arg12[%add3A_661] : memref<14784xf32, #tpu.memory_space<vmem>>[vector<16xi32>], vector<16xf32>,
      %add3A_663 = arith.addi %mul3A_31, %and3A_660 : vector<16xi32>
      %gather3A_664 = tpu.vector_load_idx %arg13[%add3A_663] : memref<1728xf32, #tpu.memory_space<vmem>>[vector<16xi32>], vector<16xf32>,
      %add3A_665 = arith.addf %gather3A_662, %gather3A_664 : vector<16xf32>
      %add3A_666 = arith.addi %mul3A_36, %and3A_660 : vector<16xi32>
      %gather3A_667 = tpu.vector_load_idx %arg14[%add3A_666] : memref<6464xf32, #tpu.memory_space<vmem>>[vector<16xi32>], vector<16xf32>,
      %add3A_668 = arith.addf %add3A_665, %gather3A_667 : vector<16xf32>
      %add3A_669 = arith.addi %mul3A_41, %and3A_660 : vector<16xi32>
      tpu.vector_store_idx %arg15[%add3A_669], %add3A_668 : memref<32768xf32, #tpu.memory_space<vmem>>[vector<16xi32>], vector<16xf32>,
      %add3A_670 = arith.constant 42 : i32
      %add3A_671 = vector.broadcast %add3A_670 : i32 to vector<16xi32>
      %add3A_672 = arith.addi %iota3A, %add3A_671 : vector<16xi32>
      %and3A_673 = arith.constant 63 : i32
      %and3A_674 = vector.broadcast %and3A_673 : i32 to vector<16xi32>
      %and3A_675 = arith.andi %add3A_672, %and3A_674 : vector<16xi32>
      %add3A_676 = arith.addi %mul3A_26, %and3A_675 : vector<16xi32>
      %gather3A_677 = tpu.vector_load_idx %arg12[%add3A_676] : memref<14784xf32, #tpu.memory_space<vmem>>[vector<16xi32>], vector<16xf32>,
      %add3A_678 = arith.addi %mul3A_31, %and3A_675 : vector<16xi32>
      %gather3A_679 = tpu.vector_load_idx %arg13[%add3A_678] : memref<1728xf32, #tpu.memory_space<vmem>>[vector<16xi32>], vector<16xf32>,
      %add3A_680 = arith.addf %gather3A_677, %gather3A_679 : vector<16xf32>
      %add3A_681 = arith.addi %mul3A_36, %and3A_675 : vector<16xi32>
      %gather3A_682 = tpu.vector_load_idx %arg14[%add3A_681] : memref<6464xf32, #tpu.memory_space<vmem>>[vector<16xi32>], vector<16xf32>,
      %add3A_683 = arith.addf %add3A_680, %gather3A_682 : vector<16xf32>
      %add3A_684 = arith.addi %mul3A_41, %and3A_675 : vector<16xi32>
      tpu.vector_store_idx %arg15[%add3A_684], %add3A_683 : memref<32768xf32, #tpu.memory_space<vmem>>[vector<16xi32>], vector<16xf32>,
      %add3A_685 = arith.constant 43 : i32
      %add3A_686 = vector.broadcast %add3A_685 : i32 to vector<16xi32>
      %add3A_687 = arith.addi %iota3A, %add3A_686 : vector<16xi32>
      %and3A_688 = arith.constant 63 : i32
      %and3A_689 = vector.broadcast %and3A_688 : i32 to vector<16xi32>
      %and3A_690 = arith.andi %add3A_687, %and3A_689 : vector<16xi32>
      %add3A_691 = arith.addi %mul3A_26, %and3A_690 : vector<16xi32>
      %gather3A_692 = tpu.vector_load_idx %arg12[%add3A_691] : memref<14784xf32, #tpu.memory_space<vmem>>[vector<16xi32>], vector<16xf32>,
      %add3A_693 = arith.addi %mul3A_31, %and3A_690 : vector<16xi32>
      %gather3A_694 = tpu.vector_load_idx %arg13[%add3A_693] : memref<1728xf32, #tpu.memory_space<vmem>>[vector<16xi32>], vector<16xf32>,
      %add3A_695 = arith.addf %gather3A_692, %gather3A_694 : vector<16xf32>
      %add3A_696 = arith.addi %mul3A_36, %and3A_690 : vector<16xi32>
      %gather3A_697 = tpu.vector_load_idx %arg14[%add3A_696] : memref<6464xf32, #tpu.memory_space<vmem>>[vector<16xi32>], vector<16xf32>,
      %add3A_698 = arith.addf %add3A_695, %gather3A_697 : vector<16xf32>
      %add3A_699 = arith.addi %mul3A_41, %and3A_690 : vector<16xi32>
      tpu.vector_store_idx %arg15[%add3A_699], %add3A_698 : memref<32768xf32, #tpu.memory_space<vmem>>[vector<16xi32>], vector<16xf32>,
      %add3A_700 = arith.constant 44 : i32
      %add3A_701 = vector.broadcast %add3A_700 : i32 to vector<16xi32>
      %add3A_702 = arith.addi %iota3A, %add3A_701 : vector<16xi32>
      %and3A_703 = arith.constant 63 : i32
      %and3A_704 = vector.broadcast %and3A_703 : i32 to vector<16xi32>
      %and3A_705 = arith.andi %add3A_702, %and3A_704 : vector<16xi32>
      %add3A_706 = arith.addi %mul3A_26, %and3A_705 : vector<16xi32>
      %gather3A_707 = tpu.vector_load_idx %arg12[%add3A_706] : memref<14784xf32, #tpu.memory_space<vmem>>[vector<16xi32>], vector<16xf32>,
      %add3A_708 = arith.addi %mul3A_31, %and3A_705 : vector<16xi32>
      %gather3A_709 = tpu.vector_load_idx %arg13[%add3A_708] : memref<1728xf32, #tpu.memory_space<vmem>>[vector<16xi32>], vector<16xf32>,
      %add3A_710 = arith.addf %gather3A_707, %gather3A_709 : vector<16xf32>
      %add3A_711 = arith.addi %mul3A_36, %and3A_705 : vector<16xi32>
      %gather3A_712 = tpu.vector_load_idx %arg14[%add3A_711] : memref<6464xf32, #tpu.memory_space<vmem>>[vector<16xi32>], vector<16xf32>,
      %add3A_713 = arith.addf %add3A_710, %gather3A_712 : vector<16xf32>
      %add3A_714 = arith.addi %mul3A_41, %and3A_705 : vector<16xi32>
      tpu.vector_store_idx %arg15[%add3A_714], %add3A_713 : memref<32768xf32, #tpu.memory_space<vmem>>[vector<16xi32>], vector<16xf32>,
      %add3A_715 = arith.constant 45 : i32
      %add3A_716 = vector.broadcast %add3A_715 : i32 to vector<16xi32>
      %add3A_717 = arith.addi %iota3A, %add3A_716 : vector<16xi32>
      %and3A_718 = arith.constant 63 : i32
      %and3A_719 = vector.broadcast %and3A_718 : i32 to vector<16xi32>
      %and3A_720 = arith.andi %add3A_717, %and3A_719 : vector<16xi32>
      %add3A_721 = arith.addi %mul3A_26, %and3A_720 : vector<16xi32>
      %gather3A_722 = tpu.vector_load_idx %arg12[%add3A_721] : memref<14784xf32, #tpu.memory_space<vmem>>[vector<16xi32>], vector<16xf32>,
      %add3A_723 = arith.addi %mul3A_31, %and3A_720 : vector<16xi32>
      %gather3A_724 = tpu.vector_load_idx %arg13[%add3A_723] : memref<1728xf32, #tpu.memory_space<vmem>>[vector<16xi32>], vector<16xf32>,
      %add3A_725 = arith.addf %gather3A_722, %gather3A_724 : vector<16xf32>
      %add3A_726 = arith.addi %mul3A_36, %and3A_720 : vector<16xi32>
      %gather3A_727 = tpu.vector_load_idx %arg14[%add3A_726] : memref<6464xf32, #tpu.memory_space<vmem>>[vector<16xi32>], vector<16xf32>,
      %add3A_728 = arith.addf %add3A_725, %gather3A_727 : vector<16xf32>
      %add3A_729 = arith.addi %mul3A_41, %and3A_720 : vector<16xi32>
      tpu.vector_store_idx %arg15[%add3A_729], %add3A_728 : memref<32768xf32, #tpu.memory_space<vmem>>[vector<16xi32>], vector<16xf32>,
      %add3A_730 = arith.constant 46 : i32
      %add3A_731 = vector.broadcast %add3A_730 : i32 to vector<16xi32>
      %add3A_732 = arith.addi %iota3A, %add3A_731 : vector<16xi32>
      %and3A_733 = arith.constant 63 : i32
      %and3A_734 = vector.broadcast %and3A_733 : i32 to vector<16xi32>
      %and3A_735 = arith.andi %add3A_732, %and3A_734 : vector<16xi32>
      %add3A_736 = arith.addi %mul3A_26, %and3A_735 : vector<16xi32>
      %gather3A_737 = tpu.vector_load_idx %arg12[%add3A_736] : memref<14784xf32, #tpu.memory_space<vmem>>[vector<16xi32>], vector<16xf32>,
      %add3A_738 = arith.addi %mul3A_31, %and3A_735 : vector<16xi32>
      %gather3A_739 = tpu.vector_load_idx %arg13[%add3A_738] : memref<1728xf32, #tpu.memory_space<vmem>>[vector<16xi32>], vector<16xf32>,
      %add3A_740 = arith.addf %gather3A_737, %gather3A_739 : vector<16xf32>
      %add3A_741 = arith.addi %mul3A_36, %and3A_735 : vector<16xi32>
      %gather3A_742 = tpu.vector_load_idx %arg14[%add3A_741] : memref<6464xf32, #tpu.memory_space<vmem>>[vector<16xi32>], vector<16xf32>,
      %add3A_743 = arith.addf %add3A_740, %gather3A_742 : vector<16xf32>
      %add3A_744 = arith.addi %mul3A_41, %and3A_735 : vector<16xi32>
      tpu.vector_store_idx %arg15[%add3A_744], %add3A_743 : memref<32768xf32, #tpu.memory_space<vmem>>[vector<16xi32>], vector<16xf32>,
      %add3A_745 = arith.constant 47 : i32
      %add3A_746 = vector.broadcast %add3A_745 : i32 to vector<16xi32>
      %add3A_747 = arith.addi %iota3A, %add3A_746 : vector<16xi32>
      %and3A_748 = arith.constant 63 : i32
      %and3A_749 = vector.broadcast %and3A_748 : i32 to vector<16xi32>
      %and3A_750 = arith.andi %add3A_747, %and3A_749 : vector<16xi32>
      %add3A_751 = arith.addi %mul3A_26, %and3A_750 : vector<16xi32>
      %gather3A_752 = tpu.vector_load_idx %arg12[%add3A_751] : memref<14784xf32, #tpu.memory_space<vmem>>[vector<16xi32>], vector<16xf32>,
      %add3A_753 = arith.addi %mul3A_31, %and3A_750 : vector<16xi32>
      %gather3A_754 = tpu.vector_load_idx %arg13[%add3A_753] : memref<1728xf32, #tpu.memory_space<vmem>>[vector<16xi32>], vector<16xf32>,
      %add3A_755 = arith.addf %gather3A_752, %gather3A_754 : vector<16xf32>
      %add3A_756 = arith.addi %mul3A_36, %and3A_750 : vector<16xi32>
      %gather3A_757 = tpu.vector_load_idx %arg14[%add3A_756] : memref<6464xf32, #tpu.memory_space<vmem>>[vector<16xi32>], vector<16xf32>,
      %add3A_758 = arith.addf %add3A_755, %gather3A_757 : vector<16xf32>
      %add3A_759 = arith.addi %mul3A_41, %and3A_750 : vector<16xi32>
      tpu.vector_store_idx %arg15[%add3A_759], %add3A_758 : memref<32768xf32, #tpu.memory_space<vmem>>[vector<16xi32>], vector<16xf32>,
      %add3A_760 = arith.constant 48 : i32
      %add3A_761 = vector.broadcast %add3A_760 : i32 to vector<16xi32>
      %add3A_762 = arith.addi %iota3A, %add3A_761 : vector<16xi32>
      %and3A_763 = arith.constant 63 : i32
      %and3A_764 = vector.broadcast %and3A_763 : i32 to vector<16xi32>
      %and3A_765 = arith.andi %add3A_762, %and3A_764 : vector<16xi32>
      %add3A_766 = arith.addi %mul3A_26, %and3A_765 : vector<16xi32>
      %gather3A_767 = tpu.vector_load_idx %arg12[%add3A_766] : memref<14784xf32, #tpu.memory_space<vmem>>[vector<16xi32>], vector<16xf32>,
      %add3A_768 = arith.addi %mul3A_31, %and3A_765 : vector<16xi32>
      %gather3A_769 = tpu.vector_load_idx %arg13[%add3A_768] : memref<1728xf32, #tpu.memory_space<vmem>>[vector<16xi32>], vector<16xf32>,
      %add3A_770 = arith.addf %gather3A_767, %gather3A_769 : vector<16xf32>
      %add3A_771 = arith.addi %mul3A_36, %and3A_765 : vector<16xi32>
      %gather3A_772 = tpu.vector_load_idx %arg14[%add3A_771] : memref<6464xf32, #tpu.memory_space<vmem>>[vector<16xi32>], vector<16xf32>,
      %add3A_773 = arith.addf %add3A_770, %gather3A_772 : vector<16xf32>
      %add3A_774 = arith.addi %mul3A_41, %and3A_765 : vector<16xi32>
      tpu.vector_store_idx %arg15[%add3A_774], %add3A_773 : memref<32768xf32, #tpu.memory_space<vmem>>[vector<16xi32>], vector<16xf32>,
      %add3A_775 = arith.constant 49 : i32
      %add3A_776 = vector.broadcast %add3A_775 : i32 to vector<16xi32>
      %add3A_777 = arith.addi %iota3A, %add3A_776 : vector<16xi32>
      %and3A_778 = arith.constant 63 : i32
      %and3A_779 = vector.broadcast %and3A_778 : i32 to vector<16xi32>
      %and3A_780 = arith.andi %add3A_777, %and3A_779 : vector<16xi32>
      %add3A_781 = arith.addi %mul3A_26, %and3A_780 : vector<16xi32>
      %gather3A_782 = tpu.vector_load_idx %arg12[%add3A_781] : memref<14784xf32, #tpu.memory_space<vmem>>[vector<16xi32>], vector<16xf32>,
      %add3A_783 = arith.addi %mul3A_31, %and3A_780 : vector<16xi32>
      %gather3A_784 = tpu.vector_load_idx %arg13[%add3A_783] : memref<1728xf32, #tpu.memory_space<vmem>>[vector<16xi32>], vector<16xf32>,
      %add3A_785 = arith.addf %gather3A_782, %gather3A_784 : vector<16xf32>
      %add3A_786 = arith.addi %mul3A_36, %and3A_780 : vector<16xi32>
      %gather3A_787 = tpu.vector_load_idx %arg14[%add3A_786] : memref<6464xf32, #tpu.memory_space<vmem>>[vector<16xi32>], vector<16xf32>,
      %add3A_788 = arith.addf %add3A_785, %gather3A_787 : vector<16xf32>
      %add3A_789 = arith.addi %mul3A_41, %and3A_780 : vector<16xi32>
      tpu.vector_store_idx %arg15[%add3A_789], %add3A_788 : memref<32768xf32, #tpu.memory_space<vmem>>[vector<16xi32>], vector<16xf32>,
      %add3A_790 = arith.constant 50 : i32
      %add3A_791 = vector.broadcast %add3A_790 : i32 to vector<16xi32>
      %add3A_792 = arith.addi %iota3A, %add3A_791 : vector<16xi32>
      %and3A_793 = arith.constant 63 : i32
      %and3A_794 = vector.broadcast %and3A_793 : i32 to vector<16xi32>
      %and3A_795 = arith.andi %add3A_792, %and3A_794 : vector<16xi32>
      %add3A_796 = arith.addi %mul3A_26, %and3A_795 : vector<16xi32>
      %gather3A_797 = tpu.vector_load_idx %arg12[%add3A_796] : memref<14784xf32, #tpu.memory_space<vmem>>[vector<16xi32>], vector<16xf32>,
      %add3A_798 = arith.addi %mul3A_31, %and3A_795 : vector<16xi32>
      %gather3A_799 = tpu.vector_load_idx %arg13[%add3A_798] : memref<1728xf32, #tpu.memory_space<vmem>>[vector<16xi32>], vector<16xf32>,
      %add3A_800 = arith.addf %gather3A_797, %gather3A_799 : vector<16xf32>
      %add3A_801 = arith.addi %mul3A_36, %and3A_795 : vector<16xi32>
      %gather3A_802 = tpu.vector_load_idx %arg14[%add3A_801] : memref<6464xf32, #tpu.memory_space<vmem>>[vector<16xi32>], vector<16xf32>,
      %add3A_803 = arith.addf %add3A_800, %gather3A_802 : vector<16xf32>
      %add3A_804 = arith.addi %mul3A_41, %and3A_795 : vector<16xi32>
      tpu.vector_store_idx %arg15[%add3A_804], %add3A_803 : memref<32768xf32, #tpu.memory_space<vmem>>[vector<16xi32>], vector<16xf32>,
      %add3A_805 = arith.constant 51 : i32
      %add3A_806 = vector.broadcast %add3A_805 : i32 to vector<16xi32>
      %add3A_807 = arith.addi %iota3A, %add3A_806 : vector<16xi32>
      %and3A_808 = arith.constant 63 : i32
      %and3A_809 = vector.broadcast %and3A_808 : i32 to vector<16xi32>
      %and3A_810 = arith.andi %add3A_807, %and3A_809 : vector<16xi32>
      %add3A_811 = arith.addi %mul3A_26, %and3A_810 : vector<16xi32>
      %gather3A_812 = tpu.vector_load_idx %arg12[%add3A_811] : memref<14784xf32, #tpu.memory_space<vmem>>[vector<16xi32>], vector<16xf32>,
      %add3A_813 = arith.addi %mul3A_31, %and3A_810 : vector<16xi32>
      %gather3A_814 = tpu.vector_load_idx %arg13[%add3A_813] : memref<1728xf32, #tpu.memory_space<vmem>>[vector<16xi32>], vector<16xf32>,
      %add3A_815 = arith.addf %gather3A_812, %gather3A_814 : vector<16xf32>
      %add3A_816 = arith.addi %mul3A_36, %and3A_810 : vector<16xi32>
      %gather3A_817 = tpu.vector_load_idx %arg14[%add3A_816] : memref<6464xf32, #tpu.memory_space<vmem>>[vector<16xi32>], vector<16xf32>,
      %add3A_818 = arith.addf %add3A_815, %gather3A_817 : vector<16xf32>
      %add3A_819 = arith.addi %mul3A_41, %and3A_810 : vector<16xi32>
      tpu.vector_store_idx %arg15[%add3A_819], %add3A_818 : memref<32768xf32, #tpu.memory_space<vmem>>[vector<16xi32>], vector<16xf32>,
      %add3A_820 = arith.constant 52 : i32
      %add3A_821 = vector.broadcast %add3A_820 : i32 to vector<16xi32>
      %add3A_822 = arith.addi %iota3A, %add3A_821 : vector<16xi32>
      %and3A_823 = arith.constant 63 : i32
      %and3A_824 = vector.broadcast %and3A_823 : i32 to vector<16xi32>
      %and3A_825 = arith.andi %add3A_822, %and3A_824 : vector<16xi32>
      %add3A_826 = arith.addi %mul3A_26, %and3A_825 : vector<16xi32>
      %gather3A_827 = tpu.vector_load_idx %arg12[%add3A_826] : memref<14784xf32, #tpu.memory_space<vmem>>[vector<16xi32>], vector<16xf32>,
      %add3A_828 = arith.addi %mul3A_31, %and3A_825 : vector<16xi32>
      %gather3A_829 = tpu.vector_load_idx %arg13[%add3A_828] : memref<1728xf32, #tpu.memory_space<vmem>>[vector<16xi32>], vector<16xf32>,
      %add3A_830 = arith.addf %gather3A_827, %gather3A_829 : vector<16xf32>
      %add3A_831 = arith.addi %mul3A_36, %and3A_825 : vector<16xi32>
      %gather3A_832 = tpu.vector_load_idx %arg14[%add3A_831] : memref<6464xf32, #tpu.memory_space<vmem>>[vector<16xi32>], vector<16xf32>,
      %add3A_833 = arith.addf %add3A_830, %gather3A_832 : vector<16xf32>
      %add3A_834 = arith.addi %mul3A_41, %and3A_825 : vector<16xi32>
      tpu.vector_store_idx %arg15[%add3A_834], %add3A_833 : memref<32768xf32, #tpu.memory_space<vmem>>[vector<16xi32>], vector<16xf32>,
      %add3A_835 = arith.constant 53 : i32
      %add3A_836 = vector.broadcast %add3A_835 : i32 to vector<16xi32>
      %add3A_837 = arith.addi %iota3A, %add3A_836 : vector<16xi32>
      %and3A_838 = arith.constant 63 : i32
      %and3A_839 = vector.broadcast %and3A_838 : i32 to vector<16xi32>
      %and3A_840 = arith.andi %add3A_837, %and3A_839 : vector<16xi32>
      %add3A_841 = arith.addi %mul3A_26, %and3A_840 : vector<16xi32>
      %gather3A_842 = tpu.vector_load_idx %arg12[%add3A_841] : memref<14784xf32, #tpu.memory_space<vmem>>[vector<16xi32>], vector<16xf32>,
      %add3A_843 = arith.addi %mul3A_31, %and3A_840 : vector<16xi32>
      %gather3A_844 = tpu.vector_load_idx %arg13[%add3A_843] : memref<1728xf32, #tpu.memory_space<vmem>>[vector<16xi32>], vector<16xf32>,
      %add3A_845 = arith.addf %gather3A_842, %gather3A_844 : vector<16xf32>
      %add3A_846 = arith.addi %mul3A_36, %and3A_840 : vector<16xi32>
      %gather3A_847 = tpu.vector_load_idx %arg14[%add3A_846] : memref<6464xf32, #tpu.memory_space<vmem>>[vector<16xi32>], vector<16xf32>,
      %add3A_848 = arith.addf %add3A_845, %gather3A_847 : vector<16xf32>
      %add3A_849 = arith.addi %mul3A_41, %and3A_840 : vector<16xi32>
      tpu.vector_store_idx %arg15[%add3A_849], %add3A_848 : memref<32768xf32, #tpu.memory_space<vmem>>[vector<16xi32>], vector<16xf32>,
      %add3A_850 = arith.constant 54 : i32
      %add3A_851 = vector.broadcast %add3A_850 : i32 to vector<16xi32>
      %add3A_852 = arith.addi %iota3A, %add3A_851 : vector<16xi32>
      %and3A_853 = arith.constant 63 : i32
      %and3A_854 = vector.broadcast %and3A_853 : i32 to vector<16xi32>
      %and3A_855 = arith.andi %add3A_852, %and3A_854 : vector<16xi32>
      %add3A_856 = arith.addi %mul3A_26, %and3A_855 : vector<16xi32>
      %gather3A_857 = tpu.vector_load_idx %arg12[%add3A_856] : memref<14784xf32, #tpu.memory_space<vmem>>[vector<16xi32>], vector<16xf32>,
      %add3A_858 = arith.addi %mul3A_31, %and3A_855 : vector<16xi32>
      %gather3A_859 = tpu.vector_load_idx %arg13[%add3A_858] : memref<1728xf32, #tpu.memory_space<vmem>>[vector<16xi32>], vector<16xf32>,
      %add3A_860 = arith.addf %gather3A_857, %gather3A_859 : vector<16xf32>
      %add3A_861 = arith.addi %mul3A_36, %and3A_855 : vector<16xi32>
      %gather3A_862 = tpu.vector_load_idx %arg14[%add3A_861] : memref<6464xf32, #tpu.memory_space<vmem>>[vector<16xi32>], vector<16xf32>,
      %add3A_863 = arith.addf %add3A_860, %gather3A_862 : vector<16xf32>
      %add3A_864 = arith.addi %mul3A_41, %and3A_855 : vector<16xi32>
      tpu.vector_store_idx %arg15[%add3A_864], %add3A_863 : memref<32768xf32, #tpu.memory_space<vmem>>[vector<16xi32>], vector<16xf32>,
      %add3A_865 = arith.constant 55 : i32
      %add3A_866 = vector.broadcast %add3A_865 : i32 to vector<16xi32>
      %add3A_867 = arith.addi %iota3A, %add3A_866 : vector<16xi32>
      %and3A_868 = arith.constant 63 : i32
      %and3A_869 = vector.broadcast %and3A_868 : i32 to vector<16xi32>
      %and3A_870 = arith.andi %add3A_867, %and3A_869 : vector<16xi32>
      %add3A_871 = arith.addi %mul3A_26, %and3A_870 : vector<16xi32>
      %gather3A_872 = tpu.vector_load_idx %arg12[%add3A_871] : memref<14784xf32, #tpu.memory_space<vmem>>[vector<16xi32>], vector<16xf32>,
      %add3A_873 = arith.addi %mul3A_31, %and3A_870 : vector<16xi32>
      %gather3A_874 = tpu.vector_load_idx %arg13[%add3A_873] : memref<1728xf32, #tpu.memory_space<vmem>>[vector<16xi32>], vector<16xf32>,
      %add3A_875 = arith.addf %gather3A_872, %gather3A_874 : vector<16xf32>
      %add3A_876 = arith.addi %mul3A_36, %and3A_870 : vector<16xi32>
      %gather3A_877 = tpu.vector_load_idx %arg14[%add3A_876] : memref<6464xf32, #tpu.memory_space<vmem>>[vector<16xi32>], vector<16xf32>,
      %add3A_878 = arith.addf %add3A_875, %gather3A_877 : vector<16xf32>
      %add3A_879 = arith.addi %mul3A_41, %and3A_870 : vector<16xi32>
      tpu.vector_store_idx %arg15[%add3A_879], %add3A_878 : memref<32768xf32, #tpu.memory_space<vmem>>[vector<16xi32>], vector<16xf32>,
      %add3A_880 = arith.constant 56 : i32
      %add3A_881 = vector.broadcast %add3A_880 : i32 to vector<16xi32>
      %add3A_882 = arith.addi %iota3A, %add3A_881 : vector<16xi32>
      %and3A_883 = arith.constant 63 : i32
      %and3A_884 = vector.broadcast %and3A_883 : i32 to vector<16xi32>
      %and3A_885 = arith.andi %add3A_882, %and3A_884 : vector<16xi32>
      %add3A_886 = arith.addi %mul3A_26, %and3A_885 : vector<16xi32>
      %gather3A_887 = tpu.vector_load_idx %arg12[%add3A_886] : memref<14784xf32, #tpu.memory_space<vmem>>[vector<16xi32>], vector<16xf32>,
      %add3A_888 = arith.addi %mul3A_31, %and3A_885 : vector<16xi32>
      %gather3A_889 = tpu.vector_load_idx %arg13[%add3A_888] : memref<1728xf32, #tpu.memory_space<vmem>>[vector<16xi32>], vector<16xf32>,
      %add3A_890 = arith.addf %gather3A_887, %gather3A_889 : vector<16xf32>
      %add3A_891 = arith.addi %mul3A_36, %and3A_885 : vector<16xi32>
      %gather3A_892 = tpu.vector_load_idx %arg14[%add3A_891] : memref<6464xf32, #tpu.memory_space<vmem>>[vector<16xi32>], vector<16xf32>,
      %add3A_893 = arith.addf %add3A_890, %gather3A_892 : vector<16xf32>
      %add3A_894 = arith.addi %mul3A_41, %and3A_885 : vector<16xi32>
      tpu.vector_store_idx %arg15[%add3A_894], %add3A_893 : memref<32768xf32, #tpu.memory_space<vmem>>[vector<16xi32>], vector<16xf32>,
      %add3A_895 = arith.constant 57 : i32
      %add3A_896 = vector.broadcast %add3A_895 : i32 to vector<16xi32>
      %add3A_897 = arith.addi %iota3A, %add3A_896 : vector<16xi32>
      %and3A_898 = arith.constant 63 : i32
      %and3A_899 = vector.broadcast %and3A_898 : i32 to vector<16xi32>
      %and3A_900 = arith.andi %add3A_897, %and3A_899 : vector<16xi32>
      %add3A_901 = arith.addi %mul3A_26, %and3A_900 : vector<16xi32>
      %gather3A_902 = tpu.vector_load_idx %arg12[%add3A_901] : memref<14784xf32, #tpu.memory_space<vmem>>[vector<16xi32>], vector<16xf32>,
      %add3A_903 = arith.addi %mul3A_31, %and3A_900 : vector<16xi32>
      %gather3A_904 = tpu.vector_load_idx %arg13[%add3A_903] : memref<1728xf32, #tpu.memory_space<vmem>>[vector<16xi32>], vector<16xf32>,
      %add3A_905 = arith.addf %gather3A_902, %gather3A_904 : vector<16xf32>
      %add3A_906 = arith.addi %mul3A_36, %and3A_900 : vector<16xi32>
      %gather3A_907 = tpu.vector_load_idx %arg14[%add3A_906] : memref<6464xf32, #tpu.memory_space<vmem>>[vector<16xi32>], vector<16xf32>,
      %add3A_908 = arith.addf %add3A_905, %gather3A_907 : vector<16xf32>
      %add3A_909 = arith.addi %mul3A_41, %and3A_900 : vector<16xi32>
      tpu.vector_store_idx %arg15[%add3A_909], %add3A_908 : memref<32768xf32, #tpu.memory_space<vmem>>[vector<16xi32>], vector<16xf32>,
      %add3A_910 = arith.constant 58 : i32
      %add3A_911 = vector.broadcast %add3A_910 : i32 to vector<16xi32>
      %add3A_912 = arith.addi %iota3A, %add3A_911 : vector<16xi32>
      %and3A_913 = arith.constant 63 : i32
      %and3A_914 = vector.broadcast %and3A_913 : i32 to vector<16xi32>
      %and3A_915 = arith.andi %add3A_912, %and3A_914 : vector<16xi32>
      %add3A_916 = arith.addi %mul3A_26, %and3A_915 : vector<16xi32>
      %gather3A_917 = tpu.vector_load_idx %arg12[%add3A_916] : memref<14784xf32, #tpu.memory_space<vmem>>[vector<16xi32>], vector<16xf32>,
      %add3A_918 = arith.addi %mul3A_31, %and3A_915 : vector<16xi32>
      %gather3A_919 = tpu.vector_load_idx %arg13[%add3A_918] : memref<1728xf32, #tpu.memory_space<vmem>>[vector<16xi32>], vector<16xf32>,
      %add3A_920 = arith.addf %gather3A_917, %gather3A_919 : vector<16xf32>
      %add3A_921 = arith.addi %mul3A_36, %and3A_915 : vector<16xi32>
      %gather3A_922 = tpu.vector_load_idx %arg14[%add3A_921] : memref<6464xf32, #tpu.memory_space<vmem>>[vector<16xi32>], vector<16xf32>,
      %add3A_923 = arith.addf %add3A_920, %gather3A_922 : vector<16xf32>
      %add3A_924 = arith.addi %mul3A_41, %and3A_915 : vector<16xi32>
      tpu.vector_store_idx %arg15[%add3A_924], %add3A_923 : memref<32768xf32, #tpu.memory_space<vmem>>[vector<16xi32>], vector<16xf32>,
      %add3A_925 = arith.constant 59 : i32
      %add3A_926 = vector.broadcast %add3A_925 : i32 to vector<16xi32>
      %add3A_927 = arith.addi %iota3A, %add3A_926 : vector<16xi32>
      %and3A_928 = arith.constant 63 : i32
      %and3A_929 = vector.broadcast %and3A_928 : i32 to vector<16xi32>
      %and3A_930 = arith.andi %add3A_927, %and3A_929 : vector<16xi32>
      %add3A_931 = arith.addi %mul3A_26, %and3A_930 : vector<16xi32>
      %gather3A_932 = tpu.vector_load_idx %arg12[%add3A_931] : memref<14784xf32, #tpu.memory_space<vmem>>[vector<16xi32>], vector<16xf32>,
      %add3A_933 = arith.addi %mul3A_31, %and3A_930 : vector<16xi32>
      %gather3A_934 = tpu.vector_load_idx %arg13[%add3A_933] : memref<1728xf32, #tpu.memory_space<vmem>>[vector<16xi32>], vector<16xf32>,
      %add3A_935 = arith.addf %gather3A_932, %gather3A_934 : vector<16xf32>
      %add3A_936 = arith.addi %mul3A_36, %and3A_930 : vector<16xi32>
      %gather3A_937 = tpu.vector_load_idx %arg14[%add3A_936] : memref<6464xf32, #tpu.memory_space<vmem>>[vector<16xi32>], vector<16xf32>,
      %add3A_938 = arith.addf %add3A_935, %gather3A_937 : vector<16xf32>
      %add3A_939 = arith.addi %mul3A_41, %and3A_930 : vector<16xi32>
      tpu.vector_store_idx %arg15[%add3A_939], %add3A_938 : memref<32768xf32, #tpu.memory_space<vmem>>[vector<16xi32>], vector<16xf32>,
      %add3A_940 = arith.constant 60 : i32
      %add3A_941 = vector.broadcast %add3A_940 : i32 to vector<16xi32>
      %add3A_942 = arith.addi %iota3A, %add3A_941 : vector<16xi32>
      %and3A_943 = arith.constant 63 : i32
      %and3A_944 = vector.broadcast %and3A_943 : i32 to vector<16xi32>
      %and3A_945 = arith.andi %add3A_942, %and3A_944 : vector<16xi32>
      %add3A_946 = arith.addi %mul3A_26, %and3A_945 : vector<16xi32>
      %gather3A_947 = tpu.vector_load_idx %arg12[%add3A_946] : memref<14784xf32, #tpu.memory_space<vmem>>[vector<16xi32>], vector<16xf32>,
      %add3A_948 = arith.addi %mul3A_31, %and3A_945 : vector<16xi32>
      %gather3A_949 = tpu.vector_load_idx %arg13[%add3A_948] : memref<1728xf32, #tpu.memory_space<vmem>>[vector<16xi32>], vector<16xf32>,
      %add3A_950 = arith.addf %gather3A_947, %gather3A_949 : vector<16xf32>
      %add3A_951 = arith.addi %mul3A_36, %and3A_945 : vector<16xi32>
      %gather3A_952 = tpu.vector_load_idx %arg14[%add3A_951] : memref<6464xf32, #tpu.memory_space<vmem>>[vector<16xi32>], vector<16xf32>,
      %add3A_953 = arith.addf %add3A_950, %gather3A_952 : vector<16xf32>
      %add3A_954 = arith.addi %mul3A_41, %and3A_945 : vector<16xi32>
      tpu.vector_store_idx %arg15[%add3A_954], %add3A_953 : memref<32768xf32, #tpu.memory_space<vmem>>[vector<16xi32>], vector<16xf32>,
      %add3A_955 = arith.constant 61 : i32
      %add3A_956 = vector.broadcast %add3A_955 : i32 to vector<16xi32>
      %add3A_957 = arith.addi %iota3A, %add3A_956 : vector<16xi32>
      %and3A_958 = arith.constant 63 : i32
      %and3A_959 = vector.broadcast %and3A_958 : i32 to vector<16xi32>
      %and3A_960 = arith.andi %add3A_957, %and3A_959 : vector<16xi32>
      %add3A_961 = arith.addi %mul3A_26, %and3A_960 : vector<16xi32>
      %gather3A_962 = tpu.vector_load_idx %arg12[%add3A_961] : memref<14784xf32, #tpu.memory_space<vmem>>[vector<16xi32>], vector<16xf32>,
      %add3A_963 = arith.addi %mul3A_31, %and3A_960 : vector<16xi32>
      %gather3A_964 = tpu.vector_load_idx %arg13[%add3A_963] : memref<1728xf32, #tpu.memory_space<vmem>>[vector<16xi32>], vector<16xf32>,
      %add3A_965 = arith.addf %gather3A_962, %gather3A_964 : vector<16xf32>
      %add3A_966 = arith.addi %mul3A_36, %and3A_960 : vector<16xi32>
      %gather3A_967 = tpu.vector_load_idx %arg14[%add3A_966] : memref<6464xf32, #tpu.memory_space<vmem>>[vector<16xi32>], vector<16xf32>,
      %add3A_968 = arith.addf %add3A_965, %gather3A_967 : vector<16xf32>
      %add3A_969 = arith.addi %mul3A_41, %and3A_960 : vector<16xi32>
      tpu.vector_store_idx %arg15[%add3A_969], %add3A_968 : memref<32768xf32, #tpu.memory_space<vmem>>[vector<16xi32>], vector<16xf32>,
      %add3A_970 = arith.constant 62 : i32
      %add3A_971 = vector.broadcast %add3A_970 : i32 to vector<16xi32>
      %add3A_972 = arith.addi %iota3A, %add3A_971 : vector<16xi32>
      %and3A_973 = arith.constant 63 : i32
      %and3A_974 = vector.broadcast %and3A_973 : i32 to vector<16xi32>
      %and3A_975 = arith.andi %add3A_972, %and3A_974 : vector<16xi32>
      %add3A_976 = arith.addi %mul3A_26, %and3A_975 : vector<16xi32>
      %gather3A_977 = tpu.vector_load_idx %arg12[%add3A_976] : memref<14784xf32, #tpu.memory_space<vmem>>[vector<16xi32>], vector<16xf32>,
      %add3A_978 = arith.addi %mul3A_31, %and3A_975 : vector<16xi32>
      %gather3A_979 = tpu.vector_load_idx %arg13[%add3A_978] : memref<1728xf32, #tpu.memory_space<vmem>>[vector<16xi32>], vector<16xf32>,
      %add3A_980 = arith.addf %gather3A_977, %gather3A_979 : vector<16xf32>
      %add3A_981 = arith.addi %mul3A_36, %and3A_975 : vector<16xi32>
      %gather3A_982 = tpu.vector_load_idx %arg14[%add3A_981] : memref<6464xf32, #tpu.memory_space<vmem>>[vector<16xi32>], vector<16xf32>,
      %add3A_983 = arith.addf %add3A_980, %gather3A_982 : vector<16xf32>
      %add3A_984 = arith.addi %mul3A_41, %and3A_975 : vector<16xi32>
      tpu.vector_store_idx %arg15[%add3A_984], %add3A_983 : memref<32768xf32, #tpu.memory_space<vmem>>[vector<16xi32>], vector<16xf32>,
      %add3A_985 = arith.constant 63 : i32
      %add3A_986 = vector.broadcast %add3A_985 : i32 to vector<16xi32>
      %add3A_987 = arith.addi %iota3A, %add3A_986 : vector<16xi32>
      %and3A_988 = arith.constant 63 : i32
      %and3A_989 = vector.broadcast %and3A_988 : i32 to vector<16xi32>
      %and3A_990 = arith.andi %add3A_987, %and3A_989 : vector<16xi32>
      %add3A_991 = arith.addi %mul3A_26, %and3A_990 : vector<16xi32>
      %gather3A_992 = tpu.vector_load_idx %arg12[%add3A_991] : memref<14784xf32, #tpu.memory_space<vmem>>[vector<16xi32>], vector<16xf32>,
      %add3A_993 = arith.addi %mul3A_31, %and3A_990 : vector<16xi32>
      %gather3A_994 = tpu.vector_load_idx %arg13[%add3A_993] : memref<1728xf32, #tpu.memory_space<vmem>>[vector<16xi32>], vector<16xf32>,
      %add3A_995 = arith.addf %gather3A_992, %gather3A_994 : vector<16xf32>
      %add3A_996 = arith.addi %mul3A_36, %and3A_990 : vector<16xi32>
      %gather3A_997 = tpu.vector_load_idx %arg14[%add3A_996] : memref<6464xf32, #tpu.memory_space<vmem>>[vector<16xi32>], vector<16xf32>,
      %add3A_998 = arith.addf %add3A_995, %gather3A_997 : vector<16xf32>
      %add3A_999 = arith.addi %mul3A_41, %and3A_990 : vector<16xi32>
      tpu.vector_store_idx %arg15[%add3A_999], %add3A_998 : memref<32768xf32, #tpu.memory_space<vmem>>[vector<16xi32>], vector<16xf32>,
    }
    %scan3A_17 = arith.constant 32 : i32
    %mul3A_18 = arith.constant 64 : i32
    %mul3A_19 = arith.muli %mul3A_2, %mul3A_18 : i32
    "tpu.region"() ({
      %run_scoped3A = tpu.sem_alloc : memref<!tpu.dma_semaphore, #tpu.memory_space<semaphore_mem>>
      %dma_start3A_20 = tpu.memref_slice %arg8[%mul3A_19] : memref<1048576xf32, #tpu.memory_space<hbm>> -> memref<32768xf32, #tpu.memory_space<hbm>>
      %dma_start3A_21 = tpu.memref_slice %arg8[%mul3A_19] : memref<1048576xf32, #tpu.memory_space<hbm>> -> memref<32768xf32, #tpu.memory_space<hbm>>
      tpu.enqueue_dma source(%arg15 : memref<32768xf32, #tpu.memory_space<vmem>>) target(%dma_start3A_21 : memref<32768xf32, #tpu.memory_space<hbm>>) target_semaphore(%run_scoped3A : memref<!tpu.dma_semaphore, #tpu.memory_space<semaphore_mem>>)
      %dma_wait3A_22 = tpu.memref_slice %arg8[%mul3A_19] : memref<1048576xf32, #tpu.memory_space<hbm>> -> memref<32768xf32, #tpu.memory_space<hbm>>
      %dma_wait3A_23 = tpu.memref_slice %arg8[%mul3A_19] : memref<1048576xf32, #tpu.memory_space<hbm>> -> memref<32768xf32, #tpu.memory_space<hbm>>
      tpu.wait_dma2 semaphore(%run_scoped3A : memref<!tpu.dma_semaphore, #tpu.memory_space<semaphore_mem>>) src(%arg15 : memref<32768xf32, #tpu.memory_space<vmem>>) dst(%dma_wait3A_23 : memref<32768xf32, #tpu.memory_space<hbm>>)
      tpu.yield
    }) : () -> ()
    return
  }
}

</mosaic_0001>

<sc_bundles>
// kernel: kernel.3.cloned.1.call-start
scs
__scs_entry_jumppad:
0x0: {  	(pc) =	sbr.rel $0x88, $3  }
0x1: {  	(tag) =	ssettag $0x0;
	lr =	simm.s32 $0x1  }
0x2: {  	[smem:$0x3F9B] =	sst lr;
	_ =	strace $0xD0000000  }
0x3: {  	_ = 	snop  }
0x4: {  	_ = 	snop  }
0x5: {  	_ = 	snop  }
0x6: {  	_ = 	snop  }
0x7: {  	_ = 	snop  }
__scs_overlays_trampoline_lowered:
0x8: {  	[smem:$0x3FAA] =	sst s0  }
0x9: {  	[smem:$0x3FAB] =	sst s1  }
0xa: {  	[smem:$0x3FAC] =	sst s2  }
0xb: {  	[smem:$0x3FAD] =	sst s3  }
0xc: {  	[smem:$0x3FAE] =	sst s4  }
0xd: {  	[smem:$0x3FAF] =	sst s5  }
0xe: {  	[smem:$0x3FB0] =	sst s6  }
0xf: {  	[smem:$0x3FB1] =	sst s7  }
0x10: {  	[smem:$0x3FB2] =	sst s8  }
0x11: {  	[smem:$0x3FB3] =	sst s9;
	s0 =	simm.s32 @!p0 $0x0  }
0x12: {  	s1 =	sld [smem:$0x3F99];
	s0 =	simm.s32 @p0 $0x1  }
0x13: {  	[smem:$0x3FB4] =	sst s0;
	s0 =	simm.s32 @!p1 $0x0  }
0x14: {  	s2 =	sld [smem:$0x3F98];
	s0 =	simm.s32 @p1 $0x1  }
0x15: {  	[smem:$0x3FB5] =	sst s0;
	s0 =	simm.s32 @!p2 $0x0  }
0x16: {  	s3 =	sld [smem:$0x3FDB];
	s0 =	simm.s32 @p2 $0x1  }
0x17: {  	s4 =	simm.s32 $0x1BF5;
	[smem:$0x3FB7] =	sst s0  }
0x18: {  	s0 =	sld [smem:$0x3F9A];
	_ =	swait.ge [sflag:s4], $0x0  }
0x19: {  	s7 =	sld [smem:$0x3F9B]  }
0x1a: {  	s8 =	sadd.s32 $0xFFFFE003, lr  }
0x1b: {  	s9 =	sadd.s32 $0xFFFFFEF7, lr;
	s5 =	simm.s32 $0xFFFFFFFF;
	p2 =	slt.u32 s8, $0xFFFFF086  }
0x1c: {  	p1 =	slt.u32 s9, $0xF7A;
	s5 =	simm.s32 @!p2 $0x0  }
0x1d: {  	s5 =	simm.s32 @p1 $0x1;
	p0 =	seq.s32 s7, s2  }
0x1e: {  	s7 =	smul.u32 @!p0 $0xF7A, s2;
	p2 =	seq.s32 @!p0 s5, $0x0  }
0x1f: {  	s9 =	smul.u32 $0xF7A, s1;
	s8 =	simm.s32 @!p0 $0x1BF5;
	p2 =	por !p2, p0  }
0x20: {  	[sflag:s8] =	ssyncset.s32 @!p0 $0xFFFFF086;
	s6 =	sadd.s32 @!p0 s3, s7;
	s7 =	simm.s32 @!p0 $0x108  }
0x21: {  	s3 =	sadd.s32 s3, s9;
	s6 =	sadd.s32 @!p0 $0x88, s6;
	s7 =	simm.s32 @p2 $0x1082  }
0x22: {  	[simem:s7], [sflag:s8] =	dma.local @!p0 [hbm:s6], $0xF7A  }
0x23: {  	s9 =	sor.u32 $0xD0000000, s2;
	s6 =	simm.s32 $0x108;
	_ =	swait.ge @!p0 [sflag:s8], $0x0  }
0x24: {  	s3 =	sadd.s32 $0x88, s3;
	s6 =	simm.s32 @!p1 $0x1082;
	[sflag:s4] =	ssyncset.s32 $0xFFFFF086  }
0x25: {  	[simem:s6], [sflag:s4] =	dma.local [hbm:s3], $0xF7A  }
0x26: {  	[smem:$0x3F9B] =	sst s1;
	(tag) =	ssettag s2;
	_ =	strace s9  }
0x27: {  	s1 =	sld [smem:$0x3FAB]  }
0x28: {  	s2 =	sld [smem:$0x3FAC]  }
0x29: {  	s4 =	sld [smem:$0x3FAE]  }
0x2a: {  	p0 =	seq.s32 s5, $0x0;
	s5 =	sld [smem:$0x3FAF]  }
0x2b: {  	s6 =	sld [smem:$0x3FB0]  }
0x2c: {  	s7 =	sld [smem:$0x3FB1]  }
0x2d: {  	s3 =	simm.s32 $0x108;
	s8 =	sld [smem:$0x3FB2]  }
0x2e: {  	s3 =	simm.s32 @!p0 $0x1082;
	s9 =	sld [smem:$0x3FB3]  }
0x2f: {  	lr =	sadd.s32 s0, s3;
	s0 =	sld [smem:$0x3FAA]  }
0x30: {  	s3 =	sld [smem:$0x3FAD]  }
0x31: {  	[smem:$0x3FB6] =	sst s10  }
0x32: {  	s10 =	sld [smem:$0x3FB4];
	_ =	sdelay $0x3  }
0x33: {  	p0 =	seq.s32 s10, $0x1;
	s10 =	sld [smem:$0x3FB6];
	_ =	sdelay $0x3  }
0x34: {  	[smem:$0x3FB6] =	sst s10  }
0x35: {  	s10 =	sld [smem:$0x3FB5];
	_ =	sdelay $0x3  }
0x36: {  	p1 =	seq.s32 s10, $0x1;
	s10 =	sld [smem:$0x3FB6];
	_ =	sdelay $0x3  }
0x37: {  	[smem:$0x3FB6] =	sst s10  }
0x38: {  	s10 =	sld [smem:$0x3FB7]  }
0x39: {  	_ = 	snop;
	(pc) =	sbr.ind lr, $3  }
0x3a: {  	_ = 	snop  }
0x3b: {  	_ = 	snop  }
0x3c: {  	p2 =	seq.s32 s10, $0x1;
	s10 =	sld [smem:$0x3FB6]  }
0x3d: {  	_ =	shalt  }
0x3e: {  	_ =	shalt  }
0x3f: {  	_ =	shalt  }
0x40: {  	_ =	shalt  }
0x41: {  	_ =	shalt  }
0x42: {  	_ =	shalt  }
0x43: {  	_ =	shalt  }
0x44: {  	_ =	shalt  }
0x45: {  	_ =	shalt  }
0x46: {  	_ =	shalt  }
0x47: {  	_ =	shalt  }
0x48: {  	_ =	shalt  }
0x49: {  	_ =	shalt  }
0x4a: {  	_ =	shalt  }
0x4b: {  	_ =	shalt  }
0x4c: {  	_ =	shalt  }
0x4d: {  	_ =	shalt  }
0x4e: {  	_ =	shalt  }
0x4f: {  	_ =	shalt  }
0x50: {  	_ =	shalt  }
0x51: {  	_ =	shalt  }
0x52: {  	_ =	shalt  }
0x53: {  	_ =	shalt  }
0x54: {  	_ =	shalt  }
0x55: {  	_ =	shalt  }
0x56: {  	_ =	shalt  }
0x57: {  	_ =	shalt  }
0x58: {  	_ =	shalt  }
0x59: {  	_ =	shalt  }
0x5a: {  	_ =	shalt  }
0x5b: {  	_ =	shalt  }
0x5c: {  	_ =	shalt  }
0x5d: {  	_ =	shalt  }
0x5e: {  	_ =	shalt  }
0x5f: {  	_ =	shalt  }
0x60: {  	_ =	shalt  }
0x61: {  	_ =	shalt  }
0x62: {  	_ =	shalt  }
0x63: {  	_ =	shalt  }
0x64: {  	_ =	shalt  }
0x65: {  	_ =	shalt  }
0x66: {  	_ =	shalt  }
0x67: {  	_ =	shalt  }
0x68: {  	_ =	shalt  }
0x69: {  	_ =	shalt  }
0x6a: {  	_ =	shalt  }
0x6b: {  	_ =	shalt  }
0x6c: {  	_ =	shalt  }
0x6d: {  	_ =	shalt  }
0x6e: {  	_ =	shalt  }
0x6f: {  	_ =	shalt  }
0x70: {  	_ =	shalt  }
0x71: {  	_ =	shalt  }
0x72: {  	_ =	shalt  }
0x73: {  	_ =	shalt  }
0x74: {  	_ =	shalt  }
0x75: {  	_ =	shalt  }
0x76: {  	_ =	shalt  }
0x77: {  	_ =	shalt  }
0x78: {  	_ =	shalt  }
0x79: {  	_ =	shalt  }
0x7a: {  	_ =	shalt  }
0x7b: {  	_ =	shalt  }
0x7c: {  	_ =	shalt  }
0x7d: {  	_ =	shalt  }
0x7e: {  	_ =	shalt  }
0x7f: {  	_ =	shalt  }
0x80: {  	_ =	shalt  }
0x81: {  	_ =	shalt  }
0x82: {  	_ =	shalt  }
0x83: {  	_ =	shalt  }
0x84: {  	_ =	shalt  }
0x85: {  	_ =	shalt  }
0x86: {  	_ =	shalt  }
0x87: {  	_ =	shalt  }
.Lfunc_end0:
.L_simem_size_0:
called_computation_lowered:
.L_overlay_start_0:
0x88: {  	s2 =	sld [smem:$0x3FD9]  }
0x89: {  	s3 =	sld [smem:$0x3FFE];
	_ =	sdelay $0x1  }
0x8a: {  	s1 =	srdreg.scid  }
0x8b: {  	s0 =	sand.u32 $0x1, s1  }
0x8c: {  	s17 =	sshll.u32 s0, $0xA;
	s2 =	sadd.s32 s3, s2  }
0x8d: {  	s2 =	sadd.s32 s2, s17  }
0x8e: {  	[smem:$0x3FC2] =	sst s2  }
0x8f: {  	_ = 	snop  }
0x90: {  	s2 =	sld [smem:$0x3FC9]  }
0x91: {  	s18 =	sld [smem:$0x3FC8]  }
0x92: {  	s4 =	sld [smem:$0x3FC7]  }
0x93: {  	s5 =	sld [smem:$0x3FD0];
	(tm) =	ssettm $0x1  }
0x94: {  	s6 =	sld [smem:$0x3FFB];
	_ =	sdelay $0x3  }
0x95: {  	_ =	strace s6  }
0x96: {  	s6 =	sld [smem:$0x3FFC];
	_ =	sdelay $0x3  }
0x97: {  	_ =	strace s6  }
0x98: {  	s6 =	sld [smem:$0x3FFD];
	_ =	sdelay $0x3  }
0x99: {  	_ =	strace s6  }
0x9a: {  	_ =	strace $0x8FFFFFFF  }
0x9b: {  	s19 =	sld [smem:$0x3FDB];
	_ =	sdelay $0x1  }
0x9c: {  	s7 =	simm.s32 $_scs_section_size  }
0x9d: {  	s8 =	simm.s32 $_size__tile_overlayer_lowered;
	s9 =	simm.s32 $_tile_overlayer_lowered  }
0x9e: {  	s22 =	simm.s32 $0x1BFF;
	s21 =	sshll.u32 s9, $0x1;
	s6 =	sadd.s32 s7, s19  }
0x9f: {  	s10 =	simm.s32 $0x0;
	s20 =	sshll.u32 s8, $0x1;
	s8 =	sadd.s32 s21, s6  }
0xa0: {  	[timem:s10], [sflag:s22] =	dma.local [hbm:s8], s20  }
0xa1: {  	_ =	swait.ge [sflag:s22], s20  }
0xa2: {  	s7 =	ssub.s32 $0x0, s20;
	[sflag:s22] =	ssyncset.done $0x0  }
0xa3: {  	[sflag:s22] =	ssyncadd.s32 s7;
	_ =	sdelay $0x1  }
0xa4: {  	s23 =	simm.s32 $0x1B8B  }
0xa5: {  	_ =	swait.ge [sflag:s23], $0x1  }
0xa6: {  	[sflag:s23] =	ssyncset.done $0x0  }
0xa7: {  	s25 =	simm.s32 $0x1B8E;
	s24 =	sld [smem:$0x3FFE];
	[sflag:s23] =	ssyncadd.s32 $0xFFFFFFFF  }
0xa8: {  	s26 =	simm.s32 $execute0_lowered;
	[smem:$0x3FD2] =	sst s25  }
0xa9: {  	s8 =	sshll.u32 s26, $0x1;
	_ =	strace $0x80000046;
	[dreg:$0x1] =	wrdreg $0xFFFFFFFF  }
0xaa: {  	s28 =	simm.s32 $_size_execute0_lowered;
	s6 =	sadd.s32 s6, s8;
	[dreg:$0x0] =	wrdreg $0x0  }
0xab: {  	s8 =	sshll.u32 s28, $0x1;
	[dreg:$0x2] =	wrdreg s6  }
0xac: {  	[dreg:$0x3] =	wrdreg s8  }
0xad: {  	[dreg:$0x4] =	wrdreg $0xC0  }
0xae: {  	_ =	task [dreg:s10], $0x5FFFF  }
0xaf: {  	[dreg:$0x1] =	wrdreg $0xFFFFFFFF  }
0xb0: {  	[dreg:$0x0] =	wrdreg $0x60  }
0xb1: {  	[dreg:$0x2] =	wrdreg s2  }
0xb2: {  	[dreg:$0x3] =	wrdreg s18  }
0xb3: {  	[dreg:$0x4] =	wrdreg s4  }
0xb4: {  	[dreg:$0x5] =	wrdreg s24  }
0xb5: {  	[dreg:$0x6] =	wrdreg s5  }
0xb6: {  	[dreg:$0x7] =	wrdreg $0x9  }
0xb7: {  	_ =	task.clear_ibuf [dreg:s10], $0x8FFFF;
	_ =	strace $0x90000046  }
0xb8: {  	s29 =	simm.s32 $0x9;
	_ =	strace $0x80000048  }
0xb9: {  	_ =	swait.ge [sflag:s29], $0x1  }
0xba: {  	[sflag:s29] =	ssyncadd.s32 $0xFFFFFFFF  }
0xbb: {  	_ =	strace $0x90000048  }
0xbc: {  	_ =	sfence  }
0xbd: {  	s30 =	sld [smem:$0x0];
	_ =	sdelay $0x2  }
0xbe: {  	s31 =	sshll.u32 s1, $0xD;
	s1 =	sshrl.u32 s1, $0x2  }
0xbf: {  	s3 =	sand.u32 $0x4000, s31;
	s1 =	sadd.s32 s1, s30  }
0xc0: {  	s0 =	sor.u32 s3, s0;
	s1 =	sshll.u32 s1, $0x11  }
0xc1: {  	s0 =	sor.u32 s1, s0  }
0xc2: {  	s0 =	sadd.s32 $0x8F2B, s0  }
0xc3: {  	[sflag:s0] =	ssyncadd.remote.s32 $0x1  }
0xc4: {  	_ =	sfence.sel $0xFFFF  }
0xc5: {  	[dreg:$0x0] =	wrdreg $0xFFFFFFFF;
	(pc) =	sbr.abs _section_cstart, $3  }
0xc6: {  	[dreg:$0x1] =	wrdreg $0xFFFFFFFF  }
0xc7: {  	_ =	task.clear_ibuf [dreg:s10], $0x2FFFF;
	_ =	strace $0x9FFFFFFF  }
0xc8: {  	(tm) =	ssettm $0x7FFFFFFF  }
0xc9: {  	_ =	shalt  }
tec
execute0_lowered:
.L_overlay_start_1:
0x0: {  	(tag) =	ssettag $0x1  }
0x1: {  	v2 =	vlaneseq.u32;
	v1 =	vimm.s32 $0x34333231;
	v37 =	vimm.s32 $0x38373635  }
0x2: {  	v38 =	vimm.s32 $0x3C3B3A39;
	v39 =	vimm.s32 $0x3F3E3D;
	vm0 =	vcmask $0x1F10  }
0x3: {  	v55 =	vimm.s32 $0x35343332;
	v41 =	vimm.s32 $0x39383736;
	v42 =	vimm.s32 $0x3D3C3B3A  }
0x4: {  	v43 =	vimm.s32 $0x1003F3E;
	v46 =	vimm.s32 $0x36353433;
	v56 =	vimm.s32 $0x3020100  }
0x5: {  	v47 =	vimm.s32 $0x3A393837;
	v48 =	vimm.s32 $0x201003F;
	v49 =	vimm.s32 $0x3F3E3D3C  }
0x6: {  	v50 =	vimm.s32 $0x37363534;
	v51 =	vimm.s32 $0x3B3A3938;
	v59 =	vimm.s32 $0x87654321  }
0x7: {  	v61 =	vimm.s32 $0x4030201;
	v62 =	vimm.s32 $0x32107654;
	v63 =	vimm.s32 $0x5040302  }
0x8: {  	vm1 =	vcmask $0x2F10;
	vm2 =	vcmask $0x3F30;
	v3 =	vmul.u32 $0x40, v2  }
0x9: {  	v4 =	vadd.s32 $0x1, v2;
	v5 =	vadd.s32 $0x2, v2;
	v6 =	vadd.s32 $0x3, v2  }
0xa: {  	v7 =	vadd.s32 $0x4, v2;
	v8 =	vadd.s32 $0x5, v2;
	v9 =	vadd.s32 $0x6, v2  }
0xb: {  	v10 =	vadd.s32 $0x7, v2;
	v11 =	vadd.s32 $0x8, v2;
	v12 =	vadd.s32 $0x9, v2  }
0xc: {  	v13 =	vadd.s32 $0xA, v2;
	v14 =	vadd.s32 $0xB, v2;
	v15 =	vadd.s32 $0xC, v2  }
0xd: {  	v16 =	vadd.s32 $0xD, v2;
	v17 =	vadd.s32 $0xE, v2;
	v18 =	vadd.s32 $0xF, v2  }
0xe: {  	v19 =	vor.u32 $0x10, v2;
	v20 =	vadd.s32 $0x11, v2;
	v21 =	vadd.s32 $0x12, v2  }
0xf: {  	v22 =	vadd.s32 $0x13, v2;
	v23 =	vadd.s32 $0x14, v2;
	v24 =	vadd.s32 $0x15, v2  }
0x10: {  	v25 =	vadd.s32 $0x16, v2;
	v26 =	vadd.s32 $0x17, v2;
	v27 =	vadd.s32 $0x18, v2  }
0x11: {  	v28 =	vadd.s32 $0x19, v2;
	v29 =	vadd.s32 $0x1A, v2;
	v30 =	vadd.s32 $0x1B, v2  }
0x12: {  	v31 =	vadd.s32 $0x1C, v2;
	v33 =	vadd.s32 $0x1D, v2;
	v32 =	vadd.s32 $0x1E, v2  }
0x13: {  	v34 =	vadd.s32 $0x1F, v2;
	v35 =	vor.u32 $0x20, v2;
	v36 =	vadd.s32 $0x21, v2  }
0x14: {  	v0 =	vadd.s32 $0x22, v2;
	v1 =	vunpack.c.0.s8.s32 v1;
	v40 =	vunpack.c.0.s8.s32 v38  }
0x15: {  	v38 =	vunpack.c.0.s8.s32 v55;
	v44 =	vunpack.c.0.s8.s32 v42;
	[tilespmem:$0x1FEA0] =	vst v0;
	v0 =	vadd.s32 $0x23, v2  }
0x16: {  	v42 =	vadd.s32 $0x25, v2;
	v45 =	vadd.s32 $0x26, v2;
	[tilespmem:$0x1FEB0] =	vst v0;
	v0 =	vunpack.c.0.s8.s32 v37  }
0x17: {  	v57 =	vunpack.c.0.s8.s32 v50;
	v58 =	vunpack.c.0.s8.s32 v51;
	v37 =	vunpack.c.0.s8.s32 v39  }
0x18: {  	v50 =	vunpack.c.0.s8.s32 v48;
	v48 =	vunpack.c.l.s4.s8 v62;
	[tilespmem:$0x1FED0] =	vst v40;
	v1 =	vsel vm0, v0, v1  }
0x19: {  	[tilespmem:$0x1FEC0] =	vst v0;
	v40 =	vsel vm0, v37, v40;
	v0 =	vunpack.c.0.s8.s32 v41;
	v41 =	vunpack.c.0.s8.s32 v43  }
0x1a: {  	v39 =	vadd.s32 $0x24, v2;
	v60 =	vsel vm0, v58, v57;
	v53 =	vcombine.low v1, v40  }
0x1b: {  	[tilespmem:$0x1FEE0] =	vst v0;
	v1 =	vsel vm0, v0, v38;
	v38 =	vsel vm0, v41, v44;
	v0 =	vunpack.c.0.s8.s32 v49  }
0x1c: {  	v54 =	vcombine.low v1, v38;
	v1 =	vunpack.c.0.s8.s32 v46;
	v46 =	vunpack.c.0.s8.s32 v56  }
0x1d: {  	[tilespmem:$0x1FF00] =	vst v58;
	v48 =	vunpack.c.0.s8.s32 v48;
	v57 =	vimm.s32 $0x43218765;
	v58 =	vimm.s32 $0xB0A0908  }
0x1e: {  	[tilespmem:$0x1FEF0] =	vst v44;
	v44 =	vunpack.c.0.s8.s32 v47;
	v47 =	vunpack.c.l.s4.s8 v59;
	v46 =	vsel vm0, v46, v0  }
0x1f: {  	v49 =	vunpack.c.0.s8.s32 v63;
	v59 =	vimm.s32 $0x54329876;
	v43 =	vcombine.low v60, v46  }
0x20: {  	v56 =	vand.u32 $0xF, v48;
	v48 =	vunpack.c.0.s8.s32 v58;
	v47 =	vunpack.c.0.s8.s32 v47  }
0x21: {  	v58 =	vimm.s32 $0xD0C0B0A;
	v52 =	vsel vm0, v49, v41;
	[tilespmem:$0x1FF10] =	vst v43;
	v43 =	vimm.s32 $0x98765432  }
0x22: {  	v46 =	vunpack.c.0.s8.s32 v61;
	v47 =	vand.u32 $0xF, v47;
	v51 =	vunpack.c.l.s4.s8 v43  }
0x23: {  	v49 =	vimm.s32 $0xC0B0A09;
	v63 =	vcombine.low v40, v47;
	v47 =	vunpack.c.l.s4.s8 v57  }
0x24: {  	[tilespmem:$0x1FF30] =	vst v52;
	v52 =	vimm.s32 $0x6050403;
	v46 =	vsel vm0, v46, v37;
	v55 =	vunpack.c.0.s8.s32 v51  }
0x25: {  	s6 =	rddreg [dreg:$0x0];
	v61 =	vunpack.c.l.s4.s8 v59;
	[tilespmem:$0x1FF20] =	vst v46;
	v46 =	vsel vm1, v56, v0;
	v47 =	vunpack.c.0.s8.s32 v47  }
0x26: {  	s7 =	rddreg [dreg:$0x1];
	v59 =	vimm.s32 $0xE0D0C0B;
	v60 =	vsel vm2, v48, v46;
	v40 =	vand.u32 $0xF, v55  }
0x27: {  	s8 =	rddreg [dreg:$0x2];
	[tilespmem:$0x1FF40] =	vst v0;
	v46 =	vunpack.c.0.s8.s32 v49;
	v62 =	vand.u32 $0xF, v47;
	v0 =	vcombine.low v38, v40  }
0x28: {  	s5 =	rddreg [dreg:$0x3];
	v43 =	vadd.s32 $0x2F, v2;
	v51 =	vimm.s32 $0x6543A987;
	v37 =	vsel vm1, v62, v37  }
0x29: {  	s9 =	rddreg [dreg:$0x4];
	s1 =	simm.s32 $0x0;
	v47 =	vunpack.c.l.s4.s8 v51;
	v38 =	vunpack.c.0.s8.s32 v61;
	[tilespmem:$0x1FF50] =	vst v0;
	v0 =	vsel vm2, v46, v37  }
0x2a: {  	[smem:$0x7FF] =	sst s1;
	v48 =	vadd.s32 $0x2D, v2;
	v62 =	vimm.s32 $0x3E3D3C3B;
	v51 =	vadd.s32 $0x2E, v2;
	[tilespmem:$0x1FF60] =	vst v0  }
0x2b: {  	s0 =	rddreg [dreg:$0x5];
	s3 =	srdreg.scid;
	v55 =	vimm.s32 $0xA9876543;
	v57 =	vunpack.c.0.s8.s32 v47;
	v56 =	vand.u32 $0xF, v38;
	_ =	strace $0x80000047;
	[tilespmem:$0x1FF80] =	vst v44  }
0x2c: {  	s2 =	stileid.u32;
	s14 =	simm.s32 $0x1;
	s15 =	simm.s32 $0x6080;
	v47 =	vunpack.c.0.s8.s32 v52;
	v37 =	vsel vm1, v56, v41;
	v41 =	vunpack.c.0.s8.s32 v58;
	[tilespmem:$0x1FFC0] =	vst v3  }
0x2d: {  	s16 =	simm.s32 $0x2;
	s17 =	simm.s32 $0x0;
	s4 =	sand.u32 $0x1, s3;
	v40 =	vunpack.c.l.s4.s8 v55;
	v61 =	vimm.s32 $0x76543210;
	v38 =	vand.u32 $0xF, v57;
	[tilespmem:$0x1FFD0] =	vst v63  }
0x2e: {  	s10 =	sshll.u32 s2, $0x1;
	s3 =	sadd.s32 $0xA00, s5;
	s11 =	ssub.s32 $0x2, s4;
	v46 =	vunpack.c.0.s8.s32 v59;
	[tilespmem:$0x1FFE0] =	vst v60;
	v0 =	vsel vm2, v41, v37;
	v37 =	vunpack.c.l.s4.s8 v61  }
0x2f: {  	s10 =	sor.u32 s4, s10;
	s4 =	sadd.s32 $0x400, s5;
	s5 =	sadd.s32 $0x600, s5;
	v49 =	vunpack.c.0.s8.s32 v62;
	v38 =	vsel vm1, v38, v50;
	[tilespmem:$0x1FF70] =	vst v0;
	v0 =	vsel vm0, v47, v50  }
0x30: {  	s12 =	sshrl.u32 s11, $0x1;
	s13 =	sshll.u32 s10, $0x6;
	s10 =	sshll.u32 s10, $0xC;
	v40 =	vunpack.c.0.s8.s32 v40;
	v52 =	vsel vm2, v46, v38;
	[tilespmem:$0x1FF90] =	vst v0;
	v0 =	vunpack.c.0.s8.s32 v37  }
0x31: {  	s11 =	ssub.s32 s11, s12;
	s6 =	sadd.s32 s6, s13;
	s7 =	sadd.s32 s7, s13;
	v55 =	vadd.s32 $0x27, v2;
	v57 =	vsel vm0, v44, v1;
	v58 =	vor.u32 $0x30, v2;
	[tilespmem:$0x1FFF0] =	vst v52  }
0x32: {  	s8 =	sadd.s32 s8, s13;
	s9 =	sadd.s32 s9, s10;
	s12 =	simm.s32 $0x4000;
	v38 =	vadd.s32 $0x29, v2;
	v46 =	vadd.s32 $0x2B, v2;
	[tilespmem:$0x1FFA0] =	vst v0;
	v0 =	vand.u32 $0xF, v40  }
0x33: {  	s13 =	simm.s32 $0x4700;
	s10 =	smax.u32 s11, $0x1;
	s11 =	simm.s32 $0x600;
	v41 =	vadd.s32 $0x2A, v2;
	v47 =	vadd.s32 $0x2C, v2;
	v40 =	vadd.s32 $0x28, v2;
	[tilespmem:$0x1FFB0] =	vst v0  }
.LBB2_1:
0x34: {  	[tilespmem:s1], [sflag:$0x1] =	stream.linear.gather [hbm4b:s6+s1], $0x200, $0x38;
	[tilespmem:$0xE080] =	vst v63  }
0x35: {  	s18 =	simm.s32 $0x200  }
0x36: {  	[tilespmem:s18], [sflag:$0x1] =	stream.linear.gather [hbm4b:s7+s1], $0x200, $0x38;
	[tilespmem:$0xE080] =	vst v63  }
0x37: {  	s19 =	simm.s32 $0x400  }
0x38: {  	[tilespmem:s19], [sflag:$0x1] =	stream.linear.gather [hbm4b:s8+s1], $0x200, $0x38;
	[tilespmem:$0xE080] =	vst v63  }
0x39: {  	_ = 	snop  }
0x3a: {  	[tilespmem:s11], [sflag:$0x1] =	stream.linear.gather [hbm4b:s3+s1], $0x3A00, $0x38;
	[tilespmem:$0xE080] =	vst v63  }
0x3b: {  	_ = 	snop  }
0x3c: {  	[tilespmem:s12], [sflag:$0x1] =	stream.linear.gather [hbm4b:s4+s1], $0x700, $0x38;
	[tilespmem:$0xE080] =	vst v63  }
0x3d: {  	_ = 	snop  }
0x3e: {  	[tilespmem:s13], [sflag:$0x1] =	stream.linear.gather [hbm4b:s5+s1], $0x1980, $0x38;
	[tilespmem:$0xE080] =	vst v63  }
0x3f: {  	_ =	swait.ge [sflag:s14], $0x200  }
0x40: {  	[sflag:s14] =	ssyncset.done $0x0  }
0x41: {  	[sflag:s14] =	ssyncadd.s32 $0xFFFFFE00  }
0x42: {  	_ =	swait.ge [sflag:s14], $0x200  }
0x43: {  	[sflag:s14] =	ssyncset.done $0x0  }
0x44: {  	[sflag:s14] =	ssyncadd.s32 $0xFFFFFE00  }
0x45: {  	_ =	swait.ge [sflag:s14], $0x200  }
0x46: {  	[sflag:s14] =	ssyncset.done $0x0  }
0x47: {  	[sflag:s14] =	ssyncadd.s32 $0xFFFFFE00  }
0x48: {  	_ =	swait.ge [sflag:s14], $0x3A00  }
0x49: {  	[sflag:s14] =	ssyncset.done $0x0  }
0x4a: {  	[sflag:s14] =	ssyncadd.s32 $0xFFFFC600  }
0x4b: {  	_ =	swait.ge [sflag:s14], $0x700  }
0x4c: {  	[sflag:s14] =	ssyncset.done $0x0  }
0x4d: {  	[sflag:s14] =	ssyncadd.s32 $0xFFFFF900  }
0x4e: {  	_ =	swait.ge [sflag:s14], $0x1980  }
0x4f: {  	[sflag:s14] =	ssyncset.done $0x0  }
0x50: {  	s20 =	simm.s32 $0x0;
	s21 =	simm.s32 $0x0;
	v37 =	vld [tilespmem:$0x1FF70];
	[sflag:s14] =	ssyncadd.s32 $0xFFFFE680  }
.LBB2_2:
0x51: {  	v52 =	vld [tilespmem:s20+$0x0]  }
0x52: {  	v59 =	vld [tilespmem:s18+$0x0];
	_ =	sdelay $0x1  }
0x53: {  	v61 =	vld [tilespmem:s19+$0x0];
	_ =	sdelay $0x1  }
0x54: {  	v52 =	vshll.u32 v52, $0x6  }
0x55: {  	v59 =	vshll.u32 v59, $0x6;
	v62 =	vor.u32 v2, v52  }
0x56: {  	v63 =	vor.u32 v2, v59  }
0x57: {  	v61 =	vshll.u32 v61, $0x6  }
0x58: {  	v0 =	vor.u32 v2, v61;
	_ =	sdelay $0x1  }
0x59: {  	v60 =	vld.idx.msk [tilespmem:v62+s11+$0x0], $0xffff  }
0x5a: {  	v63 =	vld.idx.msk [tilespmem:v63+s12+$0x0], $0xffff  }
0x5b: {  	v56 =	vmov s21  }
0x5c: {  	v62 =	vshll.u32 v56, $0x6;
	v0 =	vld.idx.msk [tilespmem:v0+s13+$0x0], $0xffff  }
0x5d: {  	v2 =	vlaneseq.u32;
	v62 =	vor.u32 v3, v62  }
0x5e: {  	v2 =	vor.u32 v2, v62  }
0x5f: {  	v44 =	vor.u32 v4, v52;
	v60 =	vadd.f32 v63, v60  }
0x60: {  	v3 =	vor.u32 v4, v59  }
0x61: {  	v0 =	vadd.f32 v0, v60  }
0x62: {  	v56 =	vor.u32 v4, v61  }
0x63: {  	[tilespmem:v2+s15+$0x0] =	vst.idx.msk $0xffff, v0  }
0x64: {  	v0 =	vld.idx.msk [tilespmem:v44+s11+$0x0], $0xffff  }
0x65: {  	v2 =	vld.idx.msk [tilespmem:v3+s12+$0x0], $0xffff;
	_ =	sdelay $0x1  }
0x66: {  	v3 =	vld.idx.msk [tilespmem:v56+s13+$0x0], $0xffff;
	_ =	sdelay $0x1  }
0x67: {  	v44 =	vor.u32 v4, v62  }
0x68: {  	v0 =	vadd.f32 v2, v0;
	v2 =	vor.u32 v5, v52  }
0x69: {  	v56 =	vor.u32 v5, v59  }
0x6a: {  	v0 =	vadd.f32 v3, v0  }
0x6b: {  	v3 =	vor.u32 v5, v61  }
0x6c: {  	[tilespmem:v44+s15+$0x0] =	vst.idx.msk $0xffff, v0  }
0x6d: {  	v0 =	vld.idx.msk [tilespmem:v2+s11+$0x0], $0xffff  }
0x6e: {  	v2 =	vld.idx.msk [tilespmem:v56+s12+$0x0], $0xffff;
	_ =	sdelay $0x1  }
0x6f: {  	v3 =	vld.idx.msk [tilespmem:v3+s13+$0x0], $0xffff;
	_ =	sdelay $0x1  }
0x70: {  	v44 =	vor.u32 v5, v62  }
0x71: {  	v0 =	vadd.f32 v2, v0;
	v2 =	vor.u32 v6, v52  }
0x72: {  	v56 =	vor.u32 v6, v59  }
0x73: {  	v0 =	vadd.f32 v3, v0  }
0x74: {  	v3 =	vor.u32 v6, v61  }
0x75: {  	[tilespmem:v44+s15+$0x0] =	vst.idx.msk $0xffff, v0  }
0x76: {  	v0 =	vld.idx.msk [tilespmem:v2+s11+$0x0], $0xffff  }
0x77: {  	v2 =	vld.idx.msk [tilespmem:v56+s12+$0x0], $0xffff;
	_ =	sdelay $0x1  }
0x78: {  	v3 =	vld.idx.msk [tilespmem:v3+s13+$0x0], $0xffff;
	_ =	sdelay $0x1  }
0x79: {  	v44 =	vor.u32 v6, v62  }
0x7a: {  	v0 =	vadd.f32 v2, v0;
	v2 =	vor.u32 v7, v52  }
0x7b: {  	v56 =	vor.u32 v7, v59  }
0x7c: {  	v0 =	vadd.f32 v3, v0  }
0x7d: {  	v3 =	vor.u32 v7, v61  }
0x7e: {  	[tilespmem:v44+s15+$0x0] =	vst.idx.msk $0xffff, v0  }
0x7f: {  	v0 =	vld.idx.msk [tilespmem:v2+s11+$0x0], $0xffff  }
0x80: {  	v2 =	vld.idx.msk [tilespmem:v56+s12+$0x0], $0xffff;
	_ =	sdelay $0x1  }
0x81: {  	v3 =	vld.idx.msk [tilespmem:v3+s13+$0x0], $0xffff;
	_ =	sdelay $0x1  }
0x82: {  	v44 =	vor.u32 v7, v62  }
0x83: {  	v0 =	vadd.f32 v2, v0;
	v2 =	vor.u32 v8, v52  }
0x84: {  	v56 =	vor.u32 v8, v59  }
0x85: {  	v0 =	vadd.f32 v3, v0  }
0x86: {  	v3 =	vor.u32 v8, v61  }
0x87: {  	[tilespmem:v44+s15+$0x0] =	vst.idx.msk $0xffff, v0  }
0x88: {  	v0 =	vld.idx.msk [tilespmem:v2+s11+$0x0], $0xffff  }
0x89: {  	v2 =	vld.idx.msk [tilespmem:v56+s12+$0x0], $0xffff;
	_ =	sdelay $0x1  }
0x8a: {  	v3 =	vld.idx.msk [tilespmem:v3+s13+$0x0], $0xffff;
	_ =	sdelay $0x1  }
0x8b: {  	v44 =	vor.u32 v8, v62  }
0x8c: {  	v0 =	vadd.f32 v2, v0;
	v2 =	vor.u32 v9, v52  }
0x8d: {  	v56 =	vor.u32 v9, v59  }
0x8e: {  	v0 =	vadd.f32 v3, v0  }
0x8f: {  	v3 =	vor.u32 v9, v61  }
0x90: {  	[tilespmem:v44+s15+$0x0] =	vst.idx.msk $0xffff, v0  }
0x91: {  	v0 =	vld.idx.msk [tilespmem:v2+s11+$0x0], $0xffff  }
0x92: {  	v2 =	vld.idx.msk [tilespmem:v56+s12+$0x0], $0xffff;
	_ =	sdelay $0x1  }
0x93: {  	v3 =	vld.idx.msk [tilespmem:v3+s13+$0x0], $0xffff;
	_ =	sdelay $0x1  }
0x94: {  	v44 =	vor.u32 v9, v62  }
0x95: {  	v0 =	vadd.f32 v2, v0;
	v2 =	vor.u32 v10, v52  }
0x96: {  	v56 =	vor.u32 v10, v59  }
0x97: {  	v0 =	vadd.f32 v3, v0  }
0x98: {  	v3 =	vor.u32 v10, v61  }
0x99: {  	[tilespmem:v44+s15+$0x0] =	vst.idx.msk $0xffff, v0  }
0x9a: {  	v0 =	vld.idx.msk [tilespmem:v2+s11+$0x0], $0xffff  }
0x9b: {  	v2 =	vld.idx.msk [tilespmem:v56+s12+$0x0], $0xffff;
	_ =	sdelay $0x1  }
0x9c: {  	v3 =	vld.idx.msk [tilespmem:v3+s13+$0x0], $0xffff;
	_ =	sdelay $0x1  }
0x9d: {  	v44 =	vor.u32 v10, v62  }
0x9e: {  	v0 =	vadd.f32 v2, v0;
	v2 =	vor.u32 v11, v52  }
0x9f: {  	v56 =	vor.u32 v11, v59  }
0xa0: {  	v0 =	vadd.f32 v3, v0  }
0xa1: {  	v3 =	vor.u32 v11, v61  }
0xa2: {  	[tilespmem:v44+s15+$0x0] =	vst.idx.msk $0xffff, v0  }
0xa3: {  	v0 =	vld.idx.msk [tilespmem:v2+s11+$0x0], $0xffff  }
0xa4: {  	v2 =	vld.idx.msk [tilespmem:v56+s12+$0x0], $0xffff;
	_ =	sdelay $0x1  }
0xa5: {  	v3 =	vld.idx.msk [tilespmem:v3+s13+$0x0], $0xffff;
	_ =	sdelay $0x1  }
0xa6: {  	v44 =	vor.u32 v11, v62  }
0xa7: {  	v0 =	vadd.f32 v2, v0;
	v2 =	vor.u32 v12, v52  }
0xa8: {  	v56 =	vor.u32 v12, v59  }
0xa9: {  	v0 =	vadd.f32 v3, v0  }
0xaa: {  	v3 =	vor.u32 v12, v61  }
0xab: {  	[tilespmem:v44+s15+$0x0] =	vst.idx.msk $0xffff, v0  }
0xac: {  	v0 =	vld.idx.msk [tilespmem:v2+s11+$0x0], $0xffff  }
0xad: {  	v2 =	vld.idx.msk [tilespmem:v56+s12+$0x0], $0xffff;
	_ =	sdelay $0x1  }
0xae: {  	v3 =	vld.idx.msk [tilespmem:v3+s13+$0x0], $0xffff;
	_ =	sdelay $0x1  }
0xaf: {  	v44 =	vor.u32 v12, v62  }
0xb0: {  	v0 =	vadd.f32 v2, v0;
	v2 =	vor.u32 v13, v52  }
0xb1: {  	v56 =	vor.u32 v13, v59  }
0xb2: {  	v0 =	vadd.f32 v3, v0  }
0xb3: {  	v3 =	vor.u32 v13, v61  }
0xb4: {  	[tilespmem:v44+s15+$0x0] =	vst.idx.msk $0xffff, v0  }
0xb5: {  	v0 =	vld.idx.msk [tilespmem:v2+s11+$0x0], $0xffff  }
0xb6: {  	v2 =	vld.idx.msk [tilespmem:v56+s12+$0x0], $0xffff;
	_ =	sdelay $0x1  }
0xb7: {  	v3 =	vld.idx.msk [tilespmem:v3+s13+$0x0], $0xffff;
	_ =	sdelay $0x1  }
0xb8: {  	v44 =	vor.u32 v13, v62  }
0xb9: {  	v0 =	vadd.f32 v2, v0;
	v2 =	vor.u32 v14, v52  }
0xba: {  	v56 =	vor.u32 v14, v59  }
0xbb: {  	v0 =	vadd.f32 v3, v0  }
0xbc: {  	v3 =	vor.u32 v14, v61  }
0xbd: {  	[tilespmem:v44+s15+$0x0] =	vst.idx.msk $0xffff, v0  }
0xbe: {  	v0 =	vld.idx.msk [tilespmem:v2+s11+$0x0], $0xffff  }
0xbf: {  	v2 =	vld.idx.msk [tilespmem:v56+s12+$0x0], $0xffff;
	_ =	sdelay $0x1  }
0xc0: {  	v3 =	vld.idx.msk [tilespmem:v3+s13+$0x0], $0xffff;
	_ =	sdelay $0x1  }
0xc1: {  	v44 =	vor.u32 v14, v62  }
0xc2: {  	v0 =	vadd.f32 v2, v0;
	v2 =	vor.u32 v15, v52  }
0xc3: {  	v56 =	vor.u32 v15, v59  }
0xc4: {  	v0 =	vadd.f32 v3, v0  }
0xc5: {  	v3 =	vor.u32 v15, v61  }
0xc6: {  	[tilespmem:v44+s15+$0x0] =	vst.idx.msk $0xffff, v0  }
0xc7: {  	v0 =	vld.idx.msk [tilespmem:v2+s11+$0x0], $0xffff  }
0xc8: {  	v2 =	vld.idx.msk [tilespmem:v56+s12+$0x0], $0xffff;
	_ =	sdelay $0x1  }
0xc9: {  	v3 =	vld.idx.msk [tilespmem:v3+s13+$0x0], $0xffff;
	_ =	sdelay $0x1  }
0xca: {  	v44 =	vor.u32 v15, v62  }
0xcb: {  	v0 =	vadd.f32 v2, v0;
	v2 =	vor.u32 v16, v52  }
0xcc: {  	v56 =	vor.u32 v16, v59  }
0xcd: {  	v0 =	vadd.f32 v3, v0  }
0xce: {  	v3 =	vor.u32 v16, v61  }
0xcf: {  	[tilespmem:v44+s15+$0x0] =	vst.idx.msk $0xffff, v0  }
0xd0: {  	v0 =	vld.idx.msk [tilespmem:v2+s11+$0x0], $0xffff  }
0xd1: {  	v2 =	vld.idx.msk [tilespmem:v56+s12+$0x0], $0xffff;
	_ =	sdelay $0x1  }
0xd2: {  	v3 =	vld.idx.msk [tilespmem:v3+s13+$0x0], $0xffff;
	_ =	sdelay $0x1  }
0xd3: {  	v44 =	vor.u32 v16, v62  }
0xd4: {  	v0 =	vadd.f32 v2, v0;
	v2 =	vor.u32 v17, v52  }
0xd5: {  	v56 =	vor.u32 v17, v59  }
0xd6: {  	v0 =	vadd.f32 v3, v0  }
0xd7: {  	v3 =	vor.u32 v17, v61  }
0xd8: {  	[tilespmem:v44+s15+$0x0] =	vst.idx.msk $0xffff, v0  }
0xd9: {  	v0 =	vld.idx.msk [tilespmem:v2+s11+$0x0], $0xffff  }
0xda: {  	v2 =	vld.idx.msk [tilespmem:v56+s12+$0x0], $0xffff;
	_ =	sdelay $0x1  }
0xdb: {  	v3 =	vld.idx.msk [tilespmem:v3+s13+$0x0], $0xffff;
	_ =	sdelay $0x1  }
0xdc: {  	v44 =	vor.u32 v17, v62  }
0xdd: {  	v0 =	vadd.f32 v2, v0;
	v2 =	vor.u32 v18, v52  }
0xde: {  	v56 =	vor.u32 v18, v59  }
0xdf: {  	v0 =	vadd.f32 v3, v0  }
0xe0: {  	v3 =	vor.u32 v18, v61  }
0xe1: {  	[tilespmem:v44+s15+$0x0] =	vst.idx.msk $0xffff, v0  }
0xe2: {  	v0 =	vld.idx.msk [tilespmem:v2+s11+$0x0], $0xffff  }
0xe3: {  	v2 =	vld.idx.msk [tilespmem:v56+s12+$0x0], $0xffff;
	_ =	sdelay $0x1  }
0xe4: {  	v3 =	vld.idx.msk [tilespmem:v3+s13+$0x0], $0xffff;
	_ =	sdelay $0x1  }
0xe5: {  	v44 =	vor.u32 v18, v62  }
0xe6: {  	v0 =	vadd.f32 v2, v0;
	v2 =	vor.u32 v19, v52  }
0xe7: {  	v56 =	vor.u32 v19, v59  }
0xe8: {  	v0 =	vadd.f32 v3, v0  }
0xe9: {  	v3 =	vor.u32 v19, v61  }
0xea: {  	[tilespmem:v44+s15+$0x0] =	vst.idx.msk $0xffff, v0  }
0xeb: {  	v0 =	vld.idx.msk [tilespmem:v2+s11+$0x0], $0xffff  }
0xec: {  	v2 =	vld.idx.msk [tilespmem:v56+s12+$0x0], $0xffff;
	_ =	sdelay $0x1  }
0xed: {  	v3 =	vld.idx.msk [tilespmem:v3+s13+$0x0], $0xffff;
	_ =	sdelay $0x1  }
0xee: {  	v44 =	vor.u32 v19, v62  }
0xef: {  	v0 =	vadd.f32 v2, v0;
	v2 =	vor.u32 v20, v52  }
0xf0: {  	v56 =	vor.u32 v20, v59  }
0xf1: {  	v0 =	vadd.f32 v3, v0  }
0xf2: {  	v3 =	vor.u32 v20, v61  }
0xf3: {  	[tilespmem:v44+s15+$0x0] =	vst.idx.msk $0xffff, v0  }
0xf4: {  	v0 =	vld.idx.msk [tilespmem:v2+s11+$0x0], $0xffff  }
0xf5: {  	v2 =	vld.idx.msk [tilespmem:v56+s12+$0x0], $0xffff;
	_ =	sdelay $0x1  }
0xf6: {  	v3 =	vld.idx.msk [tilespmem:v3+s13+$0x0], $0xffff;
	_ =	sdelay $0x1  }
0xf7: {  	v44 =	vor.u32 v20, v62  }
0xf8: {  	v0 =	vadd.f32 v2, v0;
	v2 =	vor.u32 v21, v52  }
0xf9: {  	v56 =	vor.u32 v21, v59  }
0xfa: {  	v0 =	vadd.f32 v3, v0  }
0xfb: {  	v3 =	vor.u32 v21, v61  }
0xfc: {  	[tilespmem:v44+s15+$0x0] =	vst.idx.msk $0xffff, v0  }
0xfd: {  	v0 =	vld.idx.msk [tilespmem:v2+s11+$0x0], $0xffff  }
0xfe: {  	v2 =	vld.idx.msk [tilespmem:v56+s12+$0x0], $0xffff;
	_ =	sdelay $0x1  }
0xff: {  	v3 =	vld.idx.msk [tilespmem:v3+s13+$0x0], $0xffff;
	_ =	sdelay $0x1  }
0x100: {  	v44 =	vor.u32 v21, v62  }
0x101: {  	v0 =	vadd.f32 v2, v0;
	v2 =	vor.u32 v22, v52  }
0x102: {  	v56 =	vor.u32 v22, v59  }
0x103: {  	v0 =	vadd.f32 v3, v0  }
0x104: {  	v3 =	vor.u32 v22, v61  }
0x105: {  	[tilespmem:v44+s15+$0x0] =	vst.idx.msk $0xffff, v0  }
0x106: {  	v0 =	vld.idx.msk [tilespmem:v2+s11+$0x0], $0xffff  }
0x107: {  	v2 =	vld.idx.msk [tilespmem:v56+s12+$0x0], $0xffff;
	_ =	sdelay $0x1  }
0x108: {  	v3 =	vld.idx.msk [tilespmem:v3+s13+$0x0], $0xffff;
	_ =	sdelay $0x1  }
0x109: {  	v44 =	vor.u32 v22, v62  }
0x10a: {  	v0 =	vadd.f32 v2, v0;
	v2 =	vor.u32 v23, v52  }
0x10b: {  	v56 =	vor.u32 v23, v59  }
0x10c: {  	v0 =	vadd.f32 v3, v0  }
0x10d: {  	v3 =	vor.u32 v23, v61  }
0x10e: {  	[tilespmem:v44+s15+$0x0] =	vst.idx.msk $0xffff, v0  }
0x10f: {  	v0 =	vld.idx.msk [tilespmem:v2+s11+$0x0], $0xffff  }
0x110: {  	v2 =	vld.idx.msk [tilespmem:v56+s12+$0x0], $0xffff;
	_ =	sdelay $0x1  }
0x111: {  	v3 =	vld.idx.msk [tilespmem:v3+s13+$0x0], $0xffff;
	_ =	sdelay $0x1  }
0x112: {  	v44 =	vor.u32 v23, v62  }
0x113: {  	v0 =	vadd.f32 v2, v0;
	v2 =	vor.u32 v24, v52  }
0x114: {  	v56 =	vor.u32 v24, v59  }
0x115: {  	v0 =	vadd.f32 v3, v0  }
0x116: {  	v3 =	vor.u32 v24, v61  }
0x117: {  	[tilespmem:v44+s15+$0x0] =	vst.idx.msk $0xffff, v0  }
0x118: {  	v0 =	vld.idx.msk [tilespmem:v2+s11+$0x0], $0xffff  }
0x119: {  	v2 =	vld.idx.msk [tilespmem:v56+s12+$0x0], $0xffff;
	_ =	sdelay $0x1  }
0x11a: {  	v3 =	vld.idx.msk [tilespmem:v3+s13+$0x0], $0xffff;
	_ =	sdelay $0x1  }
0x11b: {  	v44 =	vor.u32 v24, v62  }
0x11c: {  	v0 =	vadd.f32 v2, v0;
	v2 =	vor.u32 v25, v52  }
0x11d: {  	v56 =	vor.u32 v25, v59  }
0x11e: {  	v0 =	vadd.f32 v3, v0  }
0x11f: {  	v3 =	vor.u32 v25, v61  }
0x120: {  	[tilespmem:v44+s15+$0x0] =	vst.idx.msk $0xffff, v0  }
0x121: {  	v0 =	vld.idx.msk [tilespmem:v2+s11+$0x0], $0xffff  }
0x122: {  	v2 =	vld.idx.msk [tilespmem:v56+s12+$0x0], $0xffff;
	_ =	sdelay $0x1  }
0x123: {  	v3 =	vld.idx.msk [tilespmem:v3+s13+$0x0], $0xffff;
	_ =	sdelay $0x1  }
0x124: {  	v44 =	vor.u32 v25, v62  }
0x125: {  	v0 =	vadd.f32 v2, v0;
	v2 =	vor.u32 v26, v52  }
0x126: {  	v56 =	vor.u32 v26, v59  }
0x127: {  	v0 =	vadd.f32 v3, v0  }
0x128: {  	v3 =	vor.u32 v26, v61  }
0x129: {  	[tilespmem:v44+s15+$0x0] =	vst.idx.msk $0xffff, v0  }
0x12a: {  	v0 =	vld.idx.msk [tilespmem:v2+s11+$0x0], $0xffff  }
0x12b: {  	v2 =	vld.idx.msk [tilespmem:v56+s12+$0x0], $0xffff;
	_ =	sdelay $0x1  }
0x12c: {  	v3 =	vld.idx.msk [tilespmem:v3+s13+$0x0], $0xffff;
	_ =	sdelay $0x1  }
0x12d: {  	v44 =	vor.u32 v26, v62  }
0x12e: {  	v0 =	vadd.f32 v2, v0;
	v2 =	vor.u32 v27, v52  }
0x12f: {  	v56 =	vor.u32 v27, v59  }
0x130: {  	v0 =	vadd.f32 v3, v0  }
0x131: {  	v3 =	vor.u32 v27, v61  }
0x132: {  	[tilespmem:v44+s15+$0x0] =	vst.idx.msk $0xffff, v0  }
0x133: {  	v0 =	vld.idx.msk [tilespmem:v2+s11+$0x0], $0xffff  }
0x134: {  	v2 =	vld.idx.msk [tilespmem:v56+s12+$0x0], $0xffff;
	_ =	sdelay $0x1  }
0x135: {  	v3 =	vld.idx.msk [tilespmem:v3+s13+$0x0], $0xffff;
	_ =	sdelay $0x1  }
0x136: {  	v44 =	vor.u32 v27, v62  }
0x137: {  	v0 =	vadd.f32 v2, v0;
	v2 =	vor.u32 v28, v52  }
0x138: {  	v56 =	vor.u32 v28, v59  }
0x139: {  	v0 =	vadd.f32 v3, v0  }
0x13a: {  	v3 =	vor.u32 v28, v61  }
0x13b: {  	[tilespmem:v44+s15+$0x0] =	vst.idx.msk $0xffff, v0  }
0x13c: {  	v0 =	vld.idx.msk [tilespmem:v2+s11+$0x0], $0xffff  }
0x13d: {  	v2 =	vld.idx.msk [tilespmem:v56+s12+$0x0], $0xffff;
	_ =	sdelay $0x1  }
0x13e: {  	v3 =	vld.idx.msk [tilespmem:v3+s13+$0x0], $0xffff;
	_ =	sdelay $0x1  }
0x13f: {  	v44 =	vor.u32 v28, v62  }
0x140: {  	v0 =	vadd.f32 v2, v0;
	v2 =	vor.u32 v29, v52  }
0x141: {  	v56 =	vor.u32 v29, v59  }
0x142: {  	v0 =	vadd.f32 v3, v0  }
0x143: {  	v3 =	vor.u32 v29, v61  }
0x144: {  	[tilespmem:v44+s15+$0x0] =	vst.idx.msk $0xffff, v0  }
0x145: {  	v0 =	vld.idx.msk [tilespmem:v2+s11+$0x0], $0xffff  }
0x146: {  	v2 =	vld.idx.msk [tilespmem:v56+s12+$0x0], $0xffff;
	_ =	sdelay $0x1  }
0x147: {  	v3 =	vld.idx.msk [tilespmem:v3+s13+$0x0], $0xffff;
	_ =	sdelay $0x1  }
0x148: {  	v44 =	vor.u32 v29, v62  }
0x149: {  	v0 =	vadd.f32 v2, v0;
	v2 =	vor.u32 v30, v52  }
0x14a: {  	v56 =	vor.u32 v30, v59  }
0x14b: {  	v0 =	vadd.f32 v3, v0  }
0x14c: {  	v3 =	vor.u32 v30, v61  }
0x14d: {  	[tilespmem:v44+s15+$0x0] =	vst.idx.msk $0xffff, v0  }
0x14e: {  	v0 =	vld.idx.msk [tilespmem:v2+s11+$0x0], $0xffff  }
0x14f: {  	v2 =	vld.idx.msk [tilespmem:v56+s12+$0x0], $0xffff;
	_ =	sdelay $0x1  }
0x150: {  	v3 =	vld.idx.msk [tilespmem:v3+s13+$0x0], $0xffff;
	_ =	sdelay $0x1  }
0x151: {  	v44 =	vor.u32 v30, v62  }
0x152: {  	v0 =	vadd.f32 v2, v0;
	v2 =	vor.u32 v31, v52  }
0x153: {  	v56 =	vor.u32 v31, v59  }
0x154: {  	v0 =	vadd.f32 v3, v0  }
0x155: {  	v3 =	vor.u32 v31, v61  }
0x156: {  	[tilespmem:v44+s15+$0x0] =	vst.idx.msk $0xffff, v0  }
0x157: {  	v0 =	vld.idx.msk [tilespmem:v2+s11+$0x0], $0xffff  }
0x158: {  	v2 =	vld.idx.msk [tilespmem:v56+s12+$0x0], $0xffff;
	_ =	sdelay $0x1  }
0x159: {  	v3 =	vld.idx.msk [tilespmem:v3+s13+$0x0], $0xffff;
	_ =	sdelay $0x1  }
0x15a: {  	v44 =	vor.u32 v31, v62  }
0x15b: {  	v0 =	vadd.f32 v2, v0;
	v2 =	vor.u32 v33, v52  }
0x15c: {  	v56 =	vor.u32 v33, v59  }
0x15d: {  	v0 =	vadd.f32 v3, v0  }
0x15e: {  	v3 =	vor.u32 v33, v61  }
0x15f: {  	[tilespmem:v44+s15+$0x0] =	vst.idx.msk $0xffff, v0  }
0x160: {  	v0 =	vld.idx.msk [tilespmem:v2+s11+$0x0], $0xffff  }
0x161: {  	v2 =	vld.idx.msk [tilespmem:v56+s12+$0x0], $0xffff;
	_ =	sdelay $0x1  }
0x162: {  	v3 =	vld.idx.msk [tilespmem:v3+s13+$0x0], $0xffff;
	_ =	sdelay $0x1  }
0x163: {  	v44 =	vor.u32 v33, v62  }
0x164: {  	v0 =	vadd.f32 v2, v0;
	v2 =	vor.u32 v32, v52  }
0x165: {  	v56 =	vor.u32 v32, v59  }
0x166: {  	v0 =	vadd.f32 v3, v0  }
0x167: {  	v3 =	vor.u32 v32, v61  }
0x168: {  	[tilespmem:v44+s15+$0x0] =	vst.idx.msk $0xffff, v0  }
0x169: {  	v0 =	vld.idx.msk [tilespmem:v2+s11+$0x0], $0xffff  }
0x16a: {  	v2 =	vld.idx.msk [tilespmem:v56+s12+$0x0], $0xffff;
	_ =	sdelay $0x1  }
0x16b: {  	v3 =	vld.idx.msk [tilespmem:v3+s13+$0x0], $0xffff;
	_ =	sdelay $0x1  }
0x16c: {  	v44 =	vor.u32 v32, v62  }
0x16d: {  	v0 =	vadd.f32 v2, v0;
	v2 =	vor.u32 v34, v52  }
0x16e: {  	v56 =	vor.u32 v34, v59  }
0x16f: {  	v0 =	vadd.f32 v3, v0  }
0x170: {  	v3 =	vor.u32 v34, v61  }
0x171: {  	[tilespmem:v44+s15+$0x0] =	vst.idx.msk $0xffff, v0  }
0x172: {  	v0 =	vld.idx.msk [tilespmem:v2+s11+$0x0], $0xffff  }
0x173: {  	v2 =	vld.idx.msk [tilespmem:v56+s12+$0x0], $0xffff;
	_ =	sdelay $0x1  }
0x174: {  	v3 =	vld.idx.msk [tilespmem:v3+s13+$0x0], $0xffff;
	_ =	sdelay $0x1  }
0x175: {  	v44 =	vor.u32 v34, v62  }
0x176: {  	v0 =	vadd.f32 v2, v0;
	v2 =	vor.u32 v35, v52  }
0x177: {  	v56 =	vor.u32 v35, v59  }
0x178: {  	v0 =	vadd.f32 v3, v0  }
0x179: {  	v3 =	vor.u32 v35, v61  }
0x17a: {  	[tilespmem:v44+s15+$0x0] =	vst.idx.msk $0xffff, v0  }
0x17b: {  	v0 =	vld.idx.msk [tilespmem:v2+s11+$0x0], $0xffff  }
0x17c: {  	v2 =	vld.idx.msk [tilespmem:v56+s12+$0x0], $0xffff;
	_ =	sdelay $0x1  }
0x17d: {  	v3 =	vld.idx.msk [tilespmem:v3+s13+$0x0], $0xffff;
	_ =	sdelay $0x1  }
0x17e: {  	v44 =	vor.u32 v35, v62  }
0x17f: {  	v0 =	vadd.f32 v2, v0;
	v2 =	vor.u32 v36, v52  }
0x180: {  	v56 =	vor.u32 v36, v59  }
0x181: {  	v0 =	vadd.f32 v3, v0;
	_ =	sdelay $0x1  }
0x182: {  	v3 =	vor.u32 v36, v61;
	[tilespmem:v44+s15+$0x0] =	vst.idx.msk $0xffff, v0  }
0x183: {  	v0 =	vld.idx.msk [tilespmem:v2+s11+$0x0], $0xffff  }
0x184: {  	v2 =	vld.idx.msk [tilespmem:v56+s12+$0x0], $0xffff  }
0x185: {  	v56 =	vld [tilespmem:$0x1FEA0];
	_ =	sdelay $0x1  }
0x186: {  	v3 =	vld.idx.msk [tilespmem:v3+s13+$0x0], $0xffff;
	_ =	sdelay $0x1  }
0x187: {  	v60 =	vor.u32 v36, v62  }
0x188: {  	v0 =	vadd.f32 v2, v0;
	v2 =	vor.u32 v56, v52  }
0x189: {  	v44 =	vor.u32 v56, v59  }
0x18a: {  	v0 =	vadd.f32 v3, v0  }
0x18b: {  	v3 =	vor.u32 v56, v61  }
0x18c: {  	[tilespmem:v60+s15+$0x0] =	vst.idx.msk $0xffff, v0;
	v60 =	vor.u32 v56, v62;
	v56 =	vld [tilespmem:$0x1FEB0]  }
0x18d: {  	v0 =	vld.idx.msk [tilespmem:v2+s11+$0x0], $0xffff  }
0x18e: {  	v2 =	vld.idx.msk [tilespmem:v44+s12+$0x0], $0xffff;
	_ =	sdelay $0x1  }
0x18f: {  	v3 =	vld.idx.msk [tilespmem:v3+s13+$0x0], $0xffff;
	_ =	sdelay $0x2  }
0x190: {  	v0 =	vadd.f32 v2, v0;
	v2 =	vor.u32 v56, v52  }
0x191: {  	v44 =	vor.u32 v56, v59  }
0x192: {  	v0 =	vadd.f32 v3, v0  }
0x193: {  	v3 =	vor.u32 v56, v61  }
0x194: {  	[tilespmem:v60+s15+$0x0] =	vst.idx.msk $0xffff, v0  }
0x195: {  	v0 =	vld.idx.msk [tilespmem:v2+s11+$0x0], $0xffff  }
0x196: {  	v2 =	vld.idx.msk [tilespmem:v44+s12+$0x0], $0xffff;
	_ =	sdelay $0x1  }
0x197: {  	v3 =	vld.idx.msk [tilespmem:v3+s13+$0x0], $0xffff;
	_ =	sdelay $0x1  }
0x198: {  	v44 =	vor.u32 v56, v62  }
0x199: {  	v0 =	vadd.f32 v2, v0;
	v2 =	vor.u32 v39, v52  }
0x19a: {  	v56 =	vor.u32 v39, v59  }
0x19b: {  	v0 =	vadd.f32 v3, v0  }
0x19c: {  	v3 =	vor.u32 v39, v61  }
0x19d: {  	[tilespmem:v44+s15+$0x0] =	vst.idx.msk $0xffff, v0  }
0x19e: {  	v0 =	vld.idx.msk [tilespmem:v2+s11+$0x0], $0xffff  }
0x19f: {  	v2 =	vld.idx.msk [tilespmem:v56+s12+$0x0], $0xffff;
	_ =	sdelay $0x1  }
0x1a0: {  	v3 =	vld.idx.msk [tilespmem:v3+s13+$0x0], $0xffff;
	_ =	sdelay $0x1  }
0x1a1: {  	v44 =	vor.u32 v39, v62  }
0x1a2: {  	v0 =	vadd.f32 v2, v0;
	v2 =	vor.u32 v42, v52  }
0x1a3: {  	v56 =	vor.u32 v42, v59  }
0x1a4: {  	v0 =	vadd.f32 v3, v0  }
0x1a5: {  	v3 =	vor.u32 v42, v61  }
0x1a6: {  	[tilespmem:v44+s15+$0x0] =	vst.idx.msk $0xffff, v0  }
0x1a7: {  	v0 =	vld.idx.msk [tilespmem:v2+s11+$0x0], $0xffff  }
0x1a8: {  	v2 =	vld.idx.msk [tilespmem:v56+s12+$0x0], $0xffff;
	_ =	sdelay $0x1  }
0x1a9: {  	v3 =	vld.idx.msk [tilespmem:v3+s13+$0x0], $0xffff;
	_ =	sdelay $0x1  }
0x1aa: {  	v44 =	vor.u32 v42, v62  }
0x1ab: {  	v0 =	vadd.f32 v2, v0;
	v2 =	vor.u32 v45, v52  }
0x1ac: {  	v56 =	vor.u32 v45, v59  }
0x1ad: {  	v0 =	vadd.f32 v3, v0  }
0x1ae: {  	v3 =	vor.u32 v45, v61  }
0x1af: {  	[tilespmem:v44+s15+$0x0] =	vst.idx.msk $0xffff, v0  }
0x1b0: {  	v0 =	vld.idx.msk [tilespmem:v2+s11+$0x0], $0xffff  }
0x1b1: {  	v2 =	vld.idx.msk [tilespmem:v56+s12+$0x0], $0xffff;
	_ =	sdelay $0x1  }
0x1b2: {  	v3 =	vld.idx.msk [tilespmem:v3+s13+$0x0], $0xffff;
	_ =	sdelay $0x1  }
0x1b3: {  	v44 =	vor.u32 v45, v62  }
0x1b4: {  	v0 =	vadd.f32 v2, v0;
	v2 =	vor.u32 v55, v52  }
0x1b5: {  	v56 =	vor.u32 v55, v59  }
0x1b6: {  	v0 =	vadd.f32 v3, v0  }
0x1b7: {  	v3 =	vor.u32 v55, v61  }
0x1b8: {  	[tilespmem:v44+s15+$0x0] =	vst.idx.msk $0xffff, v0  }
0x1b9: {  	v0 =	vld.idx.msk [tilespmem:v2+s11+$0x0], $0xffff  }
0x1ba: {  	v2 =	vld.idx.msk [tilespmem:v56+s12+$0x0], $0xffff;
	_ =	sdelay $0x1  }
0x1bb: {  	v3 =	vld.idx.msk [tilespmem:v3+s13+$0x0], $0xffff;
	_ =	sdelay $0x1  }
0x1bc: {  	v44 =	vor.u32 v55, v62  }
0x1bd: {  	v0 =	vadd.f32 v2, v0;
	v2 =	vor.u32 v40, v52  }
0x1be: {  	v56 =	vor.u32 v40, v59  }
0x1bf: {  	v0 =	vadd.f32 v3, v0  }
0x1c0: {  	v3 =	vor.u32 v40, v61  }
0x1c1: {  	[tilespmem:v44+s15+$0x0] =	vst.idx.msk $0xffff, v0  }
0x1c2: {  	v0 =	vld.idx.msk [tilespmem:v2+s11+$0x0], $0xffff  }
0x1c3: {  	v2 =	vld.idx.msk [tilespmem:v56+s12+$0x0], $0xffff;
	_ =	sdelay $0x1  }
0x1c4: {  	v3 =	vld.idx.msk [tilespmem:v3+s13+$0x0], $0xffff;
	_ =	sdelay $0x1  }
0x1c5: {  	v44 =	vor.u32 v40, v62  }
0x1c6: {  	v0 =	vadd.f32 v2, v0;
	v2 =	vor.u32 v38, v52  }
0x1c7: {  	v56 =	vor.u32 v38, v59  }
0x1c8: {  	v0 =	vadd.f32 v3, v0  }
0x1c9: {  	v3 =	vor.u32 v38, v61  }
0x1ca: {  	[tilespmem:v44+s15+$0x0] =	vst.idx.msk $0xffff, v0  }
0x1cb: {  	v0 =	vld.idx.msk [tilespmem:v2+s11+$0x0], $0xffff  }
0x1cc: {  	v2 =	vld.idx.msk [tilespmem:v56+s12+$0x0], $0xffff;
	_ =	sdelay $0x1  }
0x1cd: {  	v3 =	vld.idx.msk [tilespmem:v3+s13+$0x0], $0xffff;
	_ =	sdelay $0x1  }
0x1ce: {  	v44 =	vor.u32 v38, v62  }
0x1cf: {  	v0 =	vadd.f32 v2, v0;
	v2 =	vor.u32 v41, v52  }
0x1d0: {  	v56 =	vor.u32 v41, v59  }
0x1d1: {  	v0 =	vadd.f32 v3, v0  }
0x1d2: {  	v3 =	vor.u32 v41, v61  }
0x1d3: {  	[tilespmem:v44+s15+$0x0] =	vst.idx.msk $0xffff, v0  }
0x1d4: {  	v0 =	vld.idx.msk [tilespmem:v2+s11+$0x0], $0xffff  }
0x1d5: {  	v2 =	vld.idx.msk [tilespmem:v56+s12+$0x0], $0xffff;
	_ =	sdelay $0x1  }
0x1d6: {  	v3 =	vld.idx.msk [tilespmem:v3+s13+$0x0], $0xffff;
	_ =	sdelay $0x1  }
0x1d7: {  	v44 =	vor.u32 v41, v62  }
0x1d8: {  	v0 =	vadd.f32 v2, v0;
	v2 =	vor.u32 v46, v52  }
0x1d9: {  	v56 =	vor.u32 v46, v59  }
0x1da: {  	v0 =	vadd.f32 v3, v0  }
0x1db: {  	v3 =	vor.u32 v46, v61  }
0x1dc: {  	[tilespmem:v44+s15+$0x0] =	vst.idx.msk $0xffff, v0  }
0x1dd: {  	v0 =	vld.idx.msk [tilespmem:v2+s11+$0x0], $0xffff  }
0x1de: {  	v2 =	vld.idx.msk [tilespmem:v56+s12+$0x0], $0xffff;
	_ =	sdelay $0x1  }
0x1df: {  	v3 =	vld.idx.msk [tilespmem:v3+s13+$0x0], $0xffff;
	_ =	sdelay $0x1  }
0x1e0: {  	v44 =	vor.u32 v46, v62  }
0x1e1: {  	v0 =	vadd.f32 v2, v0;
	v2 =	vor.u32 v47, v52  }
0x1e2: {  	v56 =	vor.u32 v47, v59  }
0x1e3: {  	v0 =	vadd.f32 v3, v0  }
0x1e4: {  	v3 =	vor.u32 v47, v61  }
0x1e5: {  	[tilespmem:v44+s15+$0x0] =	vst.idx.msk $0xffff, v0  }
0x1e6: {  	v0 =	vld.idx.msk [tilespmem:v2+s11+$0x0], $0xffff  }
0x1e7: {  	v2 =	vld.idx.msk [tilespmem:v56+s12+$0x0], $0xffff;
	_ =	sdelay $0x1  }
0x1e8: {  	v3 =	vld.idx.msk [tilespmem:v3+s13+$0x0], $0xffff;
	_ =	sdelay $0x1  }
0x1e9: {  	v44 =	vor.u32 v47, v62  }
0x1ea: {  	v0 =	vadd.f32 v2, v0;
	v2 =	vor.u32 v48, v52  }
0x1eb: {  	v56 =	vor.u32 v48, v59  }
0x1ec: {  	v0 =	vadd.f32 v3, v0  }
0x1ed: {  	v3 =	vor.u32 v48, v61  }
0x1ee: {  	[tilespmem:v44+s15+$0x0] =	vst.idx.msk $0xffff, v0  }
0x1ef: {  	v0 =	vld.idx.msk [tilespmem:v2+s11+$0x0], $0xffff  }
0x1f0: {  	v2 =	vld.idx.msk [tilespmem:v56+s12+$0x0], $0xffff;
	_ =	sdelay $0x1  }
0x1f1: {  	v3 =	vld.idx.msk [tilespmem:v3+s13+$0x0], $0xffff;
	_ =	sdelay $0x1  }
0x1f2: {  	v44 =	vor.u32 v48, v62  }
0x1f3: {  	v0 =	vadd.f32 v2, v0;
	v2 =	vor.u32 v51, v52  }
0x1f4: {  	v56 =	vor.u32 v51, v59  }
0x1f5: {  	v0 =	vadd.f32 v3, v0  }
0x1f6: {  	v3 =	vor.u32 v51, v61  }
0x1f7: {  	[tilespmem:v44+s15+$0x0] =	vst.idx.msk $0xffff, v0  }
0x1f8: {  	v0 =	vld.idx.msk [tilespmem:v2+s11+$0x0], $0xffff  }
0x1f9: {  	v2 =	vld.idx.msk [tilespmem:v56+s12+$0x0], $0xffff;
	_ =	sdelay $0x1  }
0x1fa: {  	v3 =	vld.idx.msk [tilespmem:v3+s13+$0x0], $0xffff;
	_ =	sdelay $0x1  }
0x1fb: {  	v44 =	vor.u32 v51, v62  }
0x1fc: {  	v0 =	vadd.f32 v2, v0;
	v2 =	vor.u32 v43, v52  }
0x1fd: {  	v56 =	vor.u32 v43, v59  }
0x1fe: {  	v0 =	vadd.f32 v3, v0  }
0x1ff: {  	v3 =	vor.u32 v43, v61  }
0x200: {  	[tilespmem:v44+s15+$0x0] =	vst.idx.msk $0xffff, v0  }
0x201: {  	v0 =	vld.idx.msk [tilespmem:v2+s11+$0x0], $0xffff  }
0x202: {  	v2 =	vld.idx.msk [tilespmem:v56+s12+$0x0], $0xffff;
	_ =	sdelay $0x1  }
0x203: {  	v3 =	vld.idx.msk [tilespmem:v3+s13+$0x0], $0xffff;
	_ =	sdelay $0x1  }
0x204: {  	v44 =	vor.u32 v43, v62  }
0x205: {  	v0 =	vadd.f32 v2, v0;
	v2 =	vor.u32 v58, v52  }
0x206: {  	v56 =	vor.u32 v58, v59  }
0x207: {  	v0 =	vadd.f32 v3, v0  }
0x208: {  	v3 =	vor.u32 v58, v61  }
0x209: {  	[tilespmem:v44+s15+$0x0] =	vst.idx.msk $0xffff, v0  }
0x20a: {  	v0 =	vld.idx.msk [tilespmem:v2+s11+$0x0], $0xffff  }
0x20b: {  	v2 =	vld.idx.msk [tilespmem:v56+s12+$0x0], $0xffff;
	_ =	sdelay $0x1  }
0x20c: {  	v3 =	vld.idx.msk [tilespmem:v3+s13+$0x0], $0xffff;
	_ =	sdelay $0x1  }
0x20d: {  	v44 =	vor.u32 v58, v62  }
0x20e: {  	v0 =	vadd.f32 v2, v0;
	v2 =	vor.u32 v53, v52  }
0x20f: {  	v56 =	vor.u32 v53, v59  }
0x210: {  	v0 =	vadd.f32 v3, v0  }
0x211: {  	v3 =	vor.u32 v53, v61  }
0x212: {  	[tilespmem:v44+s15+$0x0] =	vst.idx.msk $0xffff, v0  }
0x213: {  	v0 =	vld.idx.msk [tilespmem:v2+s11+$0x0], $0xffff  }
0x214: {  	v2 =	vld.idx.msk [tilespmem:v56+s12+$0x0], $0xffff;
	_ =	sdelay $0x1  }
0x215: {  	v3 =	vld.idx.msk [tilespmem:v3+s13+$0x0], $0xffff;
	_ =	sdelay $0x1  }
0x216: {  	v44 =	vor.u32 v53, v62  }
0x217: {  	v0 =	vadd.f32 v2, v0;
	v2 =	vor.u32 v54, v52  }
0x218: {  	v56 =	vor.u32 v54, v59  }
0x219: {  	v0 =	vadd.f32 v3, v0  }
0x21a: {  	v3 =	vor.u32 v54, v61  }
0x21b: {  	[tilespmem:v44+s15+$0x0] =	vst.idx.msk $0xffff, v0  }
0x21c: {  	v60 =	vsel vm0, v50, v49;
	v0 =	vld.idx.msk [tilespmem:v2+s11+$0x0], $0xffff  }
0x21d: {  	v63 =	vcombine.low v57, v60;
	v44 =	vmovc v43;
	v43 =	vmovc v51;
	v51 =	vmov v48;
	v48 =	vmov v57;
	v2 =	vld.idx.msk [tilespmem:v56+s12+$0x0], $0xffff  }
0x21e: {  	v57 =	vmovc v50;
	v50 =	vmovc v42;
	v42 =	vmov v36;
	v36 =	vmov v34;
	v34 =	vmov v32  }
0x21f: {  	v32 =	vmovc v30;
	v30 =	vmovc v28;
	v28 =	vmov v26;
	v26 =	vmov v24;
	v24 =	vmov v22;
	v3 =	vld.idx.msk [tilespmem:v3+s13+$0x0], $0xffff  }
0x220: {  	v22 =	vmovc v20;
	v20 =	vmovc v18;
	v18 =	vmov v16;
	v16 =	vmov v14;
	v14 =	vmov v12  }
0x221: {  	v12 =	vmovc v10;
	v10 =	vmovc v8;
	v8 =	vmov v6;
	v6 =	vmov v4;
	v4 =	vor.u32 v54, v62  }
0x222: {  	v0 =	vadd.f32 v2, v0;
	v2 =	vor.u32 v63, v52  }
0x223: {  	v56 =	vmovc v11;
	v11 =	vmovc v9;
	v9 =	vmov v7;
	v7 =	vmov v5;
	v5 =	vor.u32 v63, v59  }
0x224: {  	v0 =	vadd.f32 v3, v0  }
0x225: {  	v3 =	vor.u32 v63, v61  }
0x226: {  	[tilespmem:v4+s15+$0x0] =	vst.idx.msk $0xffff, v0;
	v4 =	vor.u32 v63, v62;
	v63 =	vld [tilespmem:$0x1FF10]  }
0x227: {  	v0 =	vld.idx.msk [tilespmem:v2+s11+$0x0], $0xffff  }
0x228: {  	v2 =	vld.idx.msk [tilespmem:v5+s12+$0x0], $0xffff;
	_ =	sdelay $0x1  }
0x229: {  	v3 =	vld.idx.msk [tilespmem:v3+s13+$0x0], $0xffff;
	_ =	sdelay $0x2  }
0x22a: {  	v0 =	vadd.f32 v2, v0;
	v2 =	vor.u32 v63, v52  }
0x22b: {  	v5 =	vor.u32 v63, v59  }
0x22c: {  	v0 =	vadd.f32 v3, v0  }
0x22d: {  	v1 =	vld [tilespmem:$0x1FEC0];
	v3 =	vor.u32 v63, v61  }
0x22e: {  	[tilespmem:v4+s15+$0x0] =	vst.idx.msk $0xffff, v0;
	v4 =	vld [tilespmem:$0x1FED0]  }
0x22f: {  	v0 =	vld.idx.msk [tilespmem:v2+s11+$0x0], $0xffff  }
0x230: {  	v2 =	vld.idx.msk [tilespmem:v5+s12+$0x0], $0xffff;
	_ =	sdelay $0x1  }
0x231: {  	v3 =	vld.idx.msk [tilespmem:v3+s13+$0x0], $0xffff  }
0x232: {  	v4 =	vsel vm0, v4, v1;
	v1 =	vld [tilespmem:$0x1FF20]  }
0x233: {  	v5 =	vor.u32 v63, v62  }
0x234: {  	v0 =	vadd.f32 v2, v0;
	_ =	sdelay $0x1  }
0x235: {  	v0 =	vadd.f32 v3, v0  }
0x236: {  	v4 =	vcombine.low v4, v1;
	v1 =	vld [tilespmem:$0x1FEE0]  }
0x237: {  	[tilespmem:v5+s15+$0x0] =	vst.idx.msk $0xffff, v0;
	v5 =	vld [tilespmem:$0x1FEF0]  }
0x238: {  	v2 =	vor.u32 v4, v52  }
0x239: {  	v63 =	vor.u32 v4, v59;
	_ =	sdelay $0x1  }
0x23a: {  	v3 =	vor.u32 v4, v61  }
0x23b: {  	v5 =	vsel vm0, v5, v1;
	v1 =	vld [tilespmem:$0x1FF30]  }
0x23c: {  	v0 =	vld.idx.msk [tilespmem:v2+s11+$0x0], $0xffff  }
0x23d: {  	v2 =	vld.idx.msk [tilespmem:v63+s12+$0x0], $0xffff;
	_ =	sdelay $0x1  }
0x23e: {  	v3 =	vld.idx.msk [tilespmem:v3+s13+$0x0], $0xffff  }
0x23f: {  	v5 =	vcombine.low v5, v1  }
0x240: {  	v4 =	vor.u32 v4, v62  }
0x241: {  	v0 =	vadd.f32 v2, v0;
	v2 =	vor.u32 v5, v52  }
0x242: {  	v63 =	vor.u32 v5, v59  }
0x243: {  	v0 =	vadd.f32 v3, v0  }
0x244: {  	v3 =	vor.u32 v5, v61  }
0x245: {  	v1 =	vld [tilespmem:$0x1FF80];
	[tilespmem:v4+s15+$0x0] =	vst.idx.msk $0xffff, v0  }
0x246: {  	v0 =	vld.idx.msk [tilespmem:v2+s11+$0x0], $0xffff  }
0x247: {  	v2 =	vld.idx.msk [tilespmem:v63+s12+$0x0], $0xffff;
	_ =	sdelay $0x1  }
0x248: {  	v3 =	vld.idx.msk [tilespmem:v3+s13+$0x0], $0xffff  }
0x249: {  	v4 =	vsel vm0, v49, v1;
	v1 =	vld [tilespmem:$0x1FF90]  }
0x24a: {  	v5 =	vor.u32 v5, v62  }
0x24b: {  	v0 =	vadd.f32 v2, v0;
	_ =	sdelay $0x1  }
0x24c: {  	v0 =	vadd.f32 v3, v0  }
0x24d: {  	v4 =	vcombine.low v4, v1;
	v1 =	vld [tilespmem:$0x1FF40]  }
0x24e: {  	[tilespmem:v5+s15+$0x0] =	vst.idx.msk $0xffff, v0;
	v5 =	vld [tilespmem:$0x1FF00]  }
0x24f: {  	v2 =	vor.u32 v4, v52  }
0x250: {  	v63 =	vor.u32 v4, v59;
	_ =	sdelay $0x1  }
0x251: {  	v3 =	vor.u32 v4, v61  }
0x252: {  	v5 =	vsel vm0, v1, v5;
	v1 =	vld [tilespmem:$0x1FFA0]  }
0x253: {  	v0 =	vld.idx.msk [tilespmem:v2+s11+$0x0], $0xffff  }
0x254: {  	v2 =	vld.idx.msk [tilespmem:v63+s12+$0x0], $0xffff;
	_ =	sdelay $0x1  }
0x255: {  	v3 =	vld.idx.msk [tilespmem:v3+s13+$0x0], $0xffff  }
0x256: {  	v5 =	vcombine.low v5, v1  }
0x257: {  	v4 =	vor.u32 v4, v62  }
0x258: {  	v0 =	vadd.f32 v2, v0;
	v2 =	vor.u32 v5, v52  }
0x259: {  	v63 =	vor.u32 v5, v59  }
0x25a: {  	v0 =	vadd.f32 v3, v0;
	_ =	sdelay $0x1  }
0x25b: {  	[tilespmem:v4+s15+$0x0] =	vst.idx.msk $0xffff, v0;
	v3 =	vor.u32 v5, v61  }
0x25c: {  	v0 =	vld.idx.msk [tilespmem:v2+s11+$0x0], $0xffff  }
0x25d: {  	v2 =	vld.idx.msk [tilespmem:v63+s12+$0x0], $0xffff  }
0x25e: {  	v63 =	vld [tilespmem:$0x1FFD0];
	_ =	sdelay $0x1  }
0x25f: {  	v3 =	vld.idx.msk [tilespmem:v3+s13+$0x0], $0xffff;
	_ =	sdelay $0x1  }
0x260: {  	v4 =	vor.u32 v5, v62  }
0x261: {  	v0 =	vadd.f32 v2, v0;
	v2 =	vor.u32 v63, v52  }
0x262: {  	v5 =	vor.u32 v63, v59  }
0x263: {  	v0 =	vadd.f32 v3, v0  }
0x264: {  	v3 =	vor.u32 v63, v61  }
0x265: {  	v1 =	vld [tilespmem:$0x1FF50];
	[tilespmem:v4+s15+$0x0] =	vst.idx.msk $0xffff, v0  }
0x266: {  	v0 =	vld.idx.msk [tilespmem:v2+s11+$0x0], $0xffff  }
0x267: {  	v2 =	vld.idx.msk [tilespmem:v5+s12+$0x0], $0xffff;
	_ =	sdelay $0x1  }
0x268: {  	v3 =	vld.idx.msk [tilespmem:v3+s13+$0x0], $0xffff;
	_ =	sdelay $0x1  }
0x269: {  	v4 =	vor.u32 v63, v62  }
0x26a: {  	v0 =	vadd.f32 v2, v0;
	v2 =	vor.u32 v1, v52  }
0x26b: {  	v5 =	vor.u32 v1, v59  }
0x26c: {  	v0 =	vadd.f32 v3, v0  }
0x26d: {  	v3 =	vor.u32 v1, v61  }
0x26e: {  	[tilespmem:v4+s15+$0x0] =	vst.idx.msk $0xffff, v0;
	v4 =	vld [tilespmem:$0x1FFB0]  }
0x26f: {  	v0 =	vld.idx.msk [tilespmem:v2+s11+$0x0], $0xffff  }
0x270: {  	v2 =	vld.idx.msk [tilespmem:v5+s12+$0x0], $0xffff;
	_ =	sdelay $0x1  }
0x271: {  	v3 =	vld.idx.msk [tilespmem:v3+s13+$0x0], $0xffff  }
0x272: {  	v4 =	vcombine.low v60, v4  }
0x273: {  	v5 =	vor.u32 v1, v62  }
0x274: {  	v0 =	vadd.f32 v2, v0;
	v2 =	vor.u32 v4, v52  }
0x275: {  	v60 =	vor.u32 v4, v59  }
0x276: {  	v0 =	vadd.f32 v3, v0;
	_ =	sdelay $0x1  }
0x277: {  	v3 =	vor.u32 v4, v61;
	[tilespmem:v5+s15+$0x0] =	vst.idx.msk $0xffff, v0  }
0x278: {  	v0 =	vld.idx.msk [tilespmem:v2+s11+$0x0], $0xffff  }
0x279: {  	v2 =	vld.idx.msk [tilespmem:v60+s12+$0x0], $0xffff  }
0x27a: {  	v60 =	vld [tilespmem:$0x1FFE0];
	_ =	sdelay $0x1  }
0x27b: {  	v3 =	vld.idx.msk [tilespmem:v3+s13+$0x0], $0xffff;
	_ =	sdelay $0x1  }
0x27c: {  	v4 =	vor.u32 v4, v62  }
0x27d: {  	v0 =	vadd.f32 v2, v0;
	v2 =	vor.u32 v60, v52  }
0x27e: {  	v5 =	vor.u32 v60, v59  }
0x27f: {  	v0 =	vadd.f32 v3, v0  }
0x280: {  	v3 =	vor.u32 v60, v61  }
0x281: {  	v1 =	vld [tilespmem:$0x1FF60];
	[tilespmem:v4+s15+$0x0] =	vst.idx.msk $0xffff, v0  }
0x282: {  	v0 =	vld.idx.msk [tilespmem:v2+s11+$0x0], $0xffff  }
0x283: {  	v2 =	vld.idx.msk [tilespmem:v5+s12+$0x0], $0xffff;
	_ =	sdelay $0x1  }
0x284: {  	v3 =	vld.idx.msk [tilespmem:v3+s13+$0x0], $0xffff;
	_ =	sdelay $0x1  }
0x285: {  	v4 =	vor.u32 v60, v62  }
0x286: {  	v0 =	vadd.f32 v2, v0;
	v2 =	vor.u32 v1, v52  }
0x287: {  	v5 =	vor.u32 v1, v59  }
0x288: {  	v0 =	vadd.f32 v3, v0  }
0x289: {  	v3 =	vor.u32 v1, v61  }
0x28a: {  	[tilespmem:v4+s15+$0x0] =	vst.idx.msk $0xffff, v0  }
0x28b: {  	v0 =	vld.idx.msk [tilespmem:v2+s11+$0x0], $0xffff  }
0x28c: {  	v2 =	vld.idx.msk [tilespmem:v5+s12+$0x0], $0xffff;
	_ =	sdelay $0x1  }
0x28d: {  	v3 =	vld.idx.msk [tilespmem:v3+s13+$0x0], $0xffff;
	_ =	sdelay $0x1  }
0x28e: {  	v4 =	vor.u32 v1, v62  }
0x28f: {  	v0 =	vadd.f32 v2, v0;
	v2 =	vor.u32 v37, v52  }
0x290: {  	v5 =	vor.u32 v37, v59  }
0x291: {  	v0 =	vadd.f32 v3, v0;
	_ =	sdelay $0x1  }
0x292: {  	[tilespmem:v4+s15+$0x0] =	vst.idx.msk $0xffff, v0  }
0x293: {  	v0 =	vld.idx.msk [tilespmem:v2+s11+$0x0], $0xffff  }
0x294: {  	v2 =	vld.idx.msk [tilespmem:v5+s12+$0x0], $0xffff;
	_ =	sdelay $0x1  }
0x295: {  	v3 =	vor.u32 v37, v61;
	_ =	sdelay $0x2  }
0x296: {  	v0 =	vadd.f32 v2, v0;
	v2 =	vld [tilespmem:$0x1FFF0]  }
0x297: {  	v63 =	vld [tilespmem:$0x1FFF0]  }
0x298: {  	v3 =	vld.idx.msk [tilespmem:v3+s13+$0x0], $0xffff;
	_ =	sdelay $0x1  }
0x299: {  	v4 =	vor.u32 v37, v62  }
0x29a: {  	v2 =	vor.u32 v2, v52  }
0x29b: {  	v5 =	vor.u32 v63, v59  }
0x29c: {  	v0 =	vadd.f32 v3, v0  }
0x29d: {  	v3 =	vor.u32 v63, v61  }
0x29e: {  	[tilespmem:v4+s15+$0x0] =	vst.idx.msk $0xffff, v0  }
0x29f: {  	v0 =	vld.idx.msk [tilespmem:v2+s11+$0x0], $0xffff  }
0x2a0: {  	v2 =	vld.idx.msk [tilespmem:v5+s12+$0x0], $0xffff;
	_ =	sdelay $0x1  }
0x2a1: {  	v3 =	vld.idx.msk [tilespmem:v3+s13+$0x0], $0xffff;
	_ =	sdelay $0x1  }
0x2a2: {  	v4 =	vor.u32 v63, v62  }
0x2a3: {  	v0 =	vadd.f32 v2, v0;
	_ =	sdelay $0x1  }
0x2a4: {  	v0 =	vadd.f32 v3, v0  }
0x2a5: {  	p0 =	sne.s32 s21, $0x1F0;
	v5 =	vmov v7;
	v7 =	vmov v9;
	v9 =	vmov v11  }
.Ltmp0:
0x2a6: {  	v11 =	vmovc v56;
	v2 =	vlaneseq.u32;
	[tilespmem:v4+s15+$0x0] =	vst.idx.msk $0xffff, v0;
	v4 =	vmovc v6;
	v6 =	vmov v8;
	v8 =	vmov v10;
	(pc) =	sbr.rel @p0 .LBB2_2-.Ltmp0, $4  }
0x2a7: {  	v10 =	vmovc v12;
	v12 =	vmovc v14;
	v14 =	vmov v16;
	v16 =	vmov v18;
	v18 =	vmov v20  }
0x2a8: {  	v20 =	vmovc v22;
	v22 =	vmovc v24;
	v24 =	vmov v26;
	v26 =	vmov v28;
	v28 =	vmov v30  }
0x2a9: {  	s20 =	sadd.s32 $0x10, s20;
	v30 =	vmovc v32;
	v32 =	vmovc v34;
	v34 =	vmov v36;
	v36 =	vmov v42;
	v42 =	vmov v50  }
0x2aa: {  	s18 =	sadd.s32 $0x10, s18;
	s19 =	sadd.s32 $0x10, s19;
	s21 =	sadd.s32 $0x10, s21;
	v3 =	vld [tilespmem:$0x1FFC0];
	v50 =	vmovc v57;
	v57 =	vmovc v48;
	v48 =	vmov v51;
	v51 =	vmov v43;
	v43 =	vmov v44  }
0x2ab: {  	s17 =	sadd.s32 $0x1, s17  }
0x2ac: {  	p0 =	sne.s32 s17, s10  }
.Ltmp1:
0x2ad: {  	_ = 	snop;
	(pc) =	sbr.rel @p0 .LBB2_1-.Ltmp1, $4  }
0x2ae: {  	[hbm4b:s9+s1] =	stream.linear.scatter [tilespmem:s15], [sflag:$0x2], $0x8000, $0x38;
	[tilespmem:$0xE080] =	vst v63  }
0x2af: {  	_ =	swait.ge [sflag:s16], $0x8000  }
0x2b0: {  	[sflag:s16] =	ssyncset.done $0x0  }
0x2b1: {  	[sflag:s16] =	ssyncadd.s32 $0xFFFF8000  }
0x2b2: {  	_ =	sfence.sel $0x180000  }
0x2b3: {  	[bflag:$0x0] =	sbarrier.arrive $0xFFFF  }
0x2b4: {  	p0 =	sne.s32 s2, $0x0;
	_ =	strace $0x90000047  }
0x2b5: {  	s0 =	sadd.s32 @!p0 $0x100000, s0;
	[bflag:$0x2] =	sbarrier.arrive $0xFFFF  }
0x2b6: {  	[sflag:s0] =	ssyncadd.tile.s32 @!p0 $0x1;
	_ =	shalt  }
.Lfunc_end2:
_tile_overlayer_lowered:
.L_overlay_start_2:
0x2b7: {  	(tag) =	ssettag $0x2  }
0x2b8: {  	s0 =	rddreg [dreg:$0x0];
	s2 =	stileid.u32  }
0x2b9: {  	s1 =	rddreg [dreg:$0x1];
	p0 =	sne.s32 s2, $0x0  }
0x2ba: {  	s3 =	rddreg [dreg:$0x2];
	[bflag:$0x3] =	sbarrier.arrive $0xFFFF;
	s2 =	simm.s32 @!p0 $0x1C02  }
0x2bb: {  	[timem:s3], [sflag:s2] =	dma.local @!p0 [hbm:s0], s1  }
0x2bc: {  	s0 =	simm.s32 @!p0 $0x2  }
0x2bd: {  	_ =	swait.ge @!p0 [sflag:s0], s1  }
0x2be: {  	s1 =	ssub.s32 @!p0 $0x0, s1;
	[sflag:s0] =	ssyncset.done @!p0 $0x0  }
0x2bf: {  	[sflag:s0] =	ssyncadd.s32 @!p0 s1  }
0x2c0: {  	[bflag:$0x3] =	sbarrier.arrive $0xFFFF  }
0x2c1: {  	_ =	shalt  }

</sc_bundles>
